<compile_context>
chip_gen: v7x
topology: tpu7x:2x2x1
jax: 0.10.2.dev20260603
libtpu: 0.0.44.dev20260713+nightly
codegen_flags: <defaults>
</compile_context>

<pallas_src>
import functools

import jax
import jax.numpy as jnp
from jax import lax
from jax.experimental import pallas as pl
from jax.experimental.pallas import tpu as pltpu
from jax.experimental.pallas import tpu_sc as plsc

_NC = 2
_NS = 16
_NW = _NC * _NS
_CHUNK = 128
_LANES = 16


def _round_up(v, m):
    return ((v + m - 1) // m) * m


@functools.lru_cache(maxsize=None)
def _make_deg_kernel(cpw, n_rows):
    tr = n_rows // _NS
    mesh = plsc.VectorSubcoreMesh(
        core_axis_name="c", subcore_axis_name="s", num_cores=_NC,
        num_subcores=_NS)

    @functools.partial(
        pl.kernel,
        out_type=jax.ShapeDtypeStruct((_NC * n_rows,), jnp.float32),
        mesh=mesh,
        scratch_types=[
            pltpu.VMEM((cpw, _CHUNK), jnp.int32),
            pltpu.VMEM((_CHUNK,), jnp.float32),
            pltpu.VMEM((tr,), jnp.float32),
            pltpu.VMEM_SHARED((n_rows,), jnp.float32),
        ],
    )
    def deg_kernel(dst_hbm, out_hbm, dst_v, ones_v, zero_v, deg_sh):
        c = lax.axis_index("c")
        s = lax.axis_index("s")
        wid = s * _NC + c
        for i in range(_CHUNK // _LANES):
            ones_v[pl.ds(i * _LANES, _LANES)] = jnp.ones((_LANES,),
                                                         jnp.float32)

        def zstep(i, carry):
            zero_v[pl.ds(i * _LANES, _LANES)] = jnp.zeros((_LANES,),
                                                          jnp.float32)
            return carry

        lax.fori_loop(0, tr // _LANES, zstep, 0)
        pltpu.sync_copy(zero_v, deg_sh.at[pl.ds(s * tr, tr)])
        pltpu.sync_copy(dst_hbm.at[wid], dst_v)
        plsc.subcore_barrier()

        def step(j, carry):
            pltpu.sync_copy(ones_v, deg_sh.at[dst_v.at[j]], add=True)
            return carry

        lax.fori_loop(0, cpw, step, 0)
        plsc.subcore_barrier()
        pltpu.sync_copy(deg_sh.at[pl.ds(s * tr, tr)],
                        out_hbm.at[pl.ds(c * n_rows + s * tr, tr)])

    return deg_kernel


@functools.lru_cache(maxsize=None)
def _make_scatter_kernel(cpw, n_rows, d):
    tr = n_rows // _NS
    mesh = plsc.VectorSubcoreMesh(
        core_axis_name="c", subcore_axis_name="s", num_cores=_NC,
        num_subcores=_NS)

    @functools.partial(
        pl.kernel,
        out_type=jax.ShapeDtypeStruct((_NC, n_rows, d), jnp.float32),
        mesh=mesh,
        scratch_types=[
            pltpu.VMEM((cpw, _CHUNK), jnp.int32),
            pltpu.VMEM((cpw, _CHUNK), jnp.int32),
            pltpu.VMEM((_CHUNK, d), jnp.float32),
            pltpu.VMEM_SHARED((n_rows, d), jnp.float32),
            pltpu.SemaphoreType.DMA,
        ],
    )
    def scat_kernel(u_hbm, src_hbm, dst_hbm, out_hbm, src_v, dst_v, rows_v,
                    acc_sh, sem):
        c = lax.axis_index("c")
        s = lax.axis_index("s")
        wid = s * _NC + c

        def zrow(i, carry):
            for j in range(d // _LANES):
                rows_v[i, pl.ds(j * _LANES, _LANES)] = jnp.zeros(
                    (_LANES,), jnp.float32)
            return carry

        lax.fori_loop(0, _CHUNK, zrow, 0)
        for k in range(tr // _CHUNK):
            pltpu.sync_copy(
                rows_v, acc_sh.at[pl.ds(s * tr + k * _CHUNK, _CHUNK)])
        pltpu.sync_copy(src_hbm.at[wid], src_v)
        pltpu.sync_copy(dst_hbm.at[wid], dst_v)
        plsc.subcore_barrier()

        def step(j, carry):
            pltpu.async_copy(u_hbm.at[src_v.at[j]], rows_v, sem).wait()
            pltpu.sync_copy(rows_v, acc_sh.at[dst_v.at[j]], add=True)
            return carry

        lax.fori_loop(0, cpw, step, 0)
        plsc.subcore_barrier()
        pltpu.sync_copy(acc_sh.at[pl.ds(s * tr, tr)],
                        out_hbm.at[c, pl.ds(s * tr, tr)])

    return scat_kernel


def _dot_ref(a, b):
    return jnp.dot(a.astype(jnp.bfloat16), b.astype(jnp.bfloat16),
                   preferred_element_type=jnp.float32)


def _dinv_col(degp, n):
    deg = degp[0:1, :] + degp[1:2, :] + 1.0
    return jnp.transpose((1.0 / jnp.sqrt(deg))[:, :n])


def _tc1_body(x_ref, w_ref, degp_ref, u_ref):
    n = x_ref.shape[0]
    dinv = _dinv_col(degp_ref[...], n)
    u_ref[...] = _dot_ref(x_ref[...], w_ref[...]) * dinv


def _bn_relu(t, gamma, beta, eps=1e-5):
    mu = jnp.mean(t, axis=0, keepdims=True)
    var = jnp.mean((t - mu) ** 2, axis=0, keepdims=True)
    return jax.nn.relu(gamma * (t - mu) / jnp.sqrt(var + eps) + beta)


def _tc2_body(acc_ref, u_ref, degp_ref, bc_ref, g_ref, be_ref, w_ref,
              out_ref):
    n = u_ref.shape[0]
    dinv = _dinv_col(degp_ref[...], n)
    t = (acc_ref[0, :n, :] + acc_ref[1, :n, :] + u_ref[...]) * dinv \
        + bc_ref[...]
    y = _bn_relu(t, g_ref[...], be_ref[...])
    out_ref[...] = _dot_ref(y, w_ref[...]) * dinv


def _tc3_body(acc_ref, u_ref, degp_ref, bc_ref, g_ref, be_ref, batch_ref,
              w1_ref, b1_ref, w2_ref, b2_ref, w3_ref, b3_ref, out_ref):
    n = u_ref.shape[0]
    g = out_ref.shape[0]
    dinv = _dinv_col(degp_ref[...], n)
    t = (acc_ref[0, :n, :] + acc_ref[1, :n, :] + u_ref[...]) * dinv \
        + bc_ref[...]
    h = _bn_relu(t, g_ref[...], be_ref[...])
    seg = lax.broadcasted_iota(jnp.int32, (g, n), 0)
    onehot_t = (seg == batch_ref[...]).astype(jnp.float32)
    pooled = jnp.dot(onehot_t, h, preferred_element_type=jnp.float32,
                     precision=lax.Precision.HIGHEST)
    z = jax.nn.relu(_dot_ref(pooled, w1_ref[...]) + b1_ref[...])
    z = jax.nn.relu(_dot_ref(z, w2_ref[...]) + b2_ref[...])
    out_ref[...] = _dot_ref(z, w3_ref[...]) + b3_ref[...]


def kernel(x, edge_index, batch, Wc1, bc1, g1, be1, Wc2, bc2, g2, be2,
           W1, b1, W2, b2, W3, b3):
    n, d = x.shape
    e = edge_index.shape[1]
    g = 128

    cpw = -(-e // (_NW * _CHUNK))
    e_pad = _NW * cpw * _CHUNK
    pad = e_pad - e
    n_rows = _round_up(n + 1, _NS * _CHUNK)

    src = jnp.concatenate(
        [edge_index[0], jnp.zeros((pad,), edge_index.dtype)])
    dst = jnp.concatenate(
        [edge_index[1], jnp.full((pad,), n, edge_index.dtype)])
    src2 = src.reshape(_NW, cpw, _CHUNK)
    dst2 = dst.reshape(_NW, cpw, _CHUNK)
    batch_row = batch.reshape(1, n)

    degp = _make_deg_kernel(cpw, n_rows)(dst2).reshape(_NC, n_rows)

    u1 = pl.pallas_call(
        _tc1_body,
        out_shape=jax.ShapeDtypeStruct((n, Wc1.shape[1]), jnp.float32),
    )(x, Wc1, degp)

    scat = _make_scatter_kernel(cpw, n_rows, d)
    acc1 = scat(u1, src2, dst2)

    u2 = pl.pallas_call(
        _tc2_body,
        out_shape=jax.ShapeDtypeStruct((n, Wc2.shape[1]), jnp.float32),
    )(acc1, u1, degp, bc1, g1, be1, Wc2)

    acc2 = scat(u2, src2, dst2)

    out = pl.pallas_call(
        _tc3_body,
        out_shape=jax.ShapeDtypeStruct((g, W3.shape[1]), jnp.float32),
    )(acc2, u2, degp, bc2, g2, be2, batch_row, W1, b1, W2, b2, W3, b3)
    return out

# --- scband reference (transcript-rebuilt; emitter-appended) ---
"""Pipeline reference for scband-gcn-670014898212 (READ-ONLY COPY).

The authoritative reference and input builder live on the scoring server;
editing this copy changes nothing except your own understanding.
"""

import jax, jax.numpy as jnp
import numpy as np

N = 10000
E = 320000
D = 128
DM = 256
G = 128


def _gcn_conv(x, edge_index, W, b):
    n = x.shape[0]
    loop = jnp.arange(n, dtype=edge_index.dtype)
    src = jnp.concatenate([edge_index[0], loop])
    dst = jnp.concatenate([edge_index[1], loop])
    deg = jnp.zeros((n,), x.dtype).at[dst].add(1.0)
    dinv = jnp.where(deg > 0, deg ** -0.5, 0.0)
    norm = dinv[src] * dinv[dst]
    h = x @ W
    msg = h[src] * norm[:, None]
    out = jnp.zeros((n, W.shape[1]), x.dtype).at[dst].add(msg)
    return out + b


def _bn(x, gamma, beta, eps=1e-5):
    mu = jnp.mean(x, axis=0)
    var = jnp.var(x, axis=0)
    return gamma * (x - mu) / jnp.sqrt(var + eps) + beta


def setup_inputs(seed: int = 0):
    key = jax.random.key(seed)
    ks = jax.random.split(key, 16)
    x = jax.random.normal(ks[0], (N, D), jnp.float32)
    edge_index = jax.random.randint(ks[1], (2, E), 0, N, dtype=jnp.int32)
    batch = jnp.sort(jax.random.randint(ks[2], (N,), 0, G, dtype=jnp.int32))
    Wc1 = jax.random.normal(ks[3], (D, D), jnp.float32) / np.sqrt(D)
    bc1 = jnp.zeros((D,), jnp.float32)
    Wc2 = jax.random.normal(ks[4], (D, D), jnp.float32) / np.sqrt(D)
    bc2 = jnp.zeros((D,), jnp.float32)
    g1 = jnp.ones((D,), jnp.float32)
    be1 = jnp.zeros((D,), jnp.float32)
    g2 = jnp.ones((D,), jnp.float32)
    be2 = jnp.zeros((D,), jnp.float32)
    W1 = jax.random.normal(ks[5], (D, DM), jnp.float32) / np.sqrt(D)
    b1 = jnp.zeros((DM,), jnp.float32)
    W2 = jax.random.normal(ks[6], (DM, DM), jnp.float32) / np.sqrt(DM)
    b2 = jnp.zeros((DM,), jnp.float32)
    W3 = jax.random.normal(ks[7], (DM, 1), jnp.float32) / np.sqrt(DM)
    b3 = jnp.zeros((1,), jnp.float32)
    return {"x": x, "edge_index": edge_index, "batch": batch,
            "Wc1": Wc1, "bc1": bc1, "g1": g1, "be1": be1,
            "Wc2": Wc2, "bc2": bc2, "g2": g2, "be2": be2,
            "W1": W1, "b1": b1, "W2": W2, "b2": b2, "W3": W3, "b3": b3}


def reference(x, edge_index, batch, Wc1, bc1, g1, be1, Wc2, bc2, g2, be2, W1, b1, W2, b2, W3, b3):
    h = _gcn_conv(x, edge_index, Wc1, bc1)
    h = _bn(h, g1, be1)
    h = jax.nn.relu(h)
    h = _gcn_conv(h, edge_index, Wc2, bc2)
    h = _bn(h, g2, be2)
    h = jax.nn.relu(h)
    pooled = jax.ops.segment_sum(h, batch, num_segments=G)
    z = jax.nn.relu(pooled @ W1 + b1)
    z = jax.nn.relu(z @ W2 + b2)
    out = z @ W3 + b3
    return out

if __name__ == "__main__":
    import jax
    _d = setup_inputs()
    print(jax.jit(kernel)(*tuple(_d.values())))

</pallas_src>

<mosaic_0001>
#map = affine_map<(d0, d1) -> (0, 0)>
#map1 = affine_map<(d0, d1) -> (0, 0, 0)>
module attributes {stable_mosaic.version = 14 : i64} {
  func.func @scat_kernel(%arg0: i32, %arg1: i32, %arg2: memref<10000x128xf32, #tpu.memory_space<hbm>>, %arg3: memref<32x79x128xi32, #tpu.memory_space<hbm>>, %arg4: memref<32x79x128xi32, #tpu.memory_space<hbm>>, %arg5: memref<2x10240x128xf32, #tpu.memory_space<hbm>>, %arg6: memref<79x128xi32, #tpu.memory_space<vmem>>, %arg7: memref<79x128xi32, #tpu.memory_space<vmem>>, %arg8: memref<128x128xf32, #tpu.memory_space<vmem>>, %arg9: memref<10240x128xf32, #tpu.memory_space<vmem_shared>>, %arg10: memref<!tpu.dma_semaphore, #tpu.memory_space<semaphore_mem>>) attributes {dimension_semantics = [#tpu.dimension_semantics<core_parallel>, #tpu.dimension_semantics<subcore_parallel>], iteration_bounds = array<i64: 2, 16>, scalar_prefetch = 0 : i64, scratch_operands = 5 : i64, tpu.core_type = #tpu.core_type<sc_vector_subcore>, window_params = [{transform_indices = #map}, {transform_indices = #map1}, {transform_indices = #map1}, {transform_indices = #map1}]} {
    %mul3A = arith.constant 2 : i32
    %mul3A_0 = arith.muli %arg1, %mul3A : i32
    %add3A = arith.addi %mul3A_0, %arg0 : i32
    %scan3A = arith.constant 0 : i32
    %scan3A_1 = arith.constant 0 : i32
    %scan3A_2 = arith.constant 128 : i32
    %scan3A_3 = arith.addi %scan3A_1, %scan3A_2 : i32
    %scan3A_4 = arith.constant 1 : i32
    scf.for %scan3A_37 = %scan3A_1 to %scan3A_3 step %scan3A_4  : i32 {
      %broadcast_in_dim3A = arith.constant 0.000000e+00 : f32
      %broadcast_in_dim3A_38 = vector.broadcast %broadcast_in_dim3A : f32 to vector<16xf32>
      %swap3A = arith.index_cast %scan3A_37 : i32 to index
      %swap3A_39 = arith.constant 0 : index
      %swap3A_40 = tpu.vector_load %arg8[%swap3A, %swap3A_39] {strides = array<i32>} : memref<128x128xf32, #tpu.memory_space<vmem>>, vector<1x16xf32>,
      %swap3A_41 = vector.shape_cast %swap3A_40 : vector<1x16xf32> to vector<16xf32>
      %swap3A_42 = vector.shape_cast %broadcast_in_dim3A_38 : vector<16xf32> to vector<1x16xf32>
      tpu.vector_store %arg8[%swap3A, %swap3A_39], %swap3A_42 {strides = array<i32>} : memref<128x128xf32, #tpu.memory_space<vmem>>, vector<1x16xf32>,
      %broadcast_in_dim3A_43 = arith.constant 0.000000e+00 : f32
      %broadcast_in_dim3A_44 = vector.broadcast %broadcast_in_dim3A_43 : f32 to vector<16xf32>
      %swap3A_45 = arith.index_cast %scan3A_37 : i32 to index
      %swap3A_46 = arith.constant 16 : index
      %swap3A_47 = tpu.vector_load %arg8[%swap3A_45, %swap3A_46] {strides = array<i32>} : memref<128x128xf32, #tpu.memory_space<vmem>>, vector<1x16xf32>,
      %swap3A_48 = vector.shape_cast %swap3A_47 : vector<1x16xf32> to vector<16xf32>
      %swap3A_49 = vector.shape_cast %broadcast_in_dim3A_44 : vector<16xf32> to vector<1x16xf32>
      tpu.vector_store %arg8[%swap3A_45, %swap3A_46], %swap3A_49 {strides = array<i32>} : memref<128x128xf32, #tpu.memory_space<vmem>>, vector<1x16xf32>,
      %broadcast_in_dim3A_50 = arith.constant 0.000000e+00 : f32
      %broadcast_in_dim3A_51 = vector.broadcast %broadcast_in_dim3A_50 : f32 to vector<16xf32>
      %swap3A_52 = arith.index_cast %scan3A_37 : i32 to index
      %swap3A_53 = arith.constant 32 : index
      %swap3A_54 = tpu.vector_load %arg8[%swap3A_52, %swap3A_53] {strides = array<i32>} : memref<128x128xf32, #tpu.memory_space<vmem>>, vector<1x16xf32>,
      %swap3A_55 = vector.shape_cast %swap3A_54 : vector<1x16xf32> to vector<16xf32>
      %swap3A_56 = vector.shape_cast %broadcast_in_dim3A_51 : vector<16xf32> to vector<1x16xf32>
      tpu.vector_store %arg8[%swap3A_52, %swap3A_53], %swap3A_56 {strides = array<i32>} : memref<128x128xf32, #tpu.memory_space<vmem>>, vector<1x16xf32>,
      %broadcast_in_dim3A_57 = arith.constant 0.000000e+00 : f32
      %broadcast_in_dim3A_58 = vector.broadcast %broadcast_in_dim3A_57 : f32 to vector<16xf32>
      %swap3A_59 = arith.index_cast %scan3A_37 : i32 to index
      %swap3A_60 = arith.constant 48 : index
      %swap3A_61 = tpu.vector_load %arg8[%swap3A_59, %swap3A_60] {strides = array<i32>} : memref<128x128xf32, #tpu.memory_space<vmem>>, vector<1x16xf32>,
      %swap3A_62 = vector.shape_cast %swap3A_61 : vector<1x16xf32> to vector<16xf32>
      %swap3A_63 = vector.shape_cast %broadcast_in_dim3A_58 : vector<16xf32> to vector<1x16xf32>
      tpu.vector_store %arg8[%swap3A_59, %swap3A_60], %swap3A_63 {strides = array<i32>} : memref<128x128xf32, #tpu.memory_space<vmem>>, vector<1x16xf32>,
      %broadcast_in_dim3A_64 = arith.constant 0.000000e+00 : f32
      %broadcast_in_dim3A_65 = vector.broadcast %broadcast_in_dim3A_64 : f32 to vector<16xf32>
      %swap3A_66 = arith.index_cast %scan3A_37 : i32 to index
      %swap3A_67 = arith.constant 64 : index
      %swap3A_68 = tpu.vector_load %arg8[%swap3A_66, %swap3A_67] {strides = array<i32>} : memref<128x128xf32, #tpu.memory_space<vmem>>, vector<1x16xf32>,
      %swap3A_69 = vector.shape_cast %swap3A_68 : vector<1x16xf32> to vector<16xf32>
      %swap3A_70 = vector.shape_cast %broadcast_in_dim3A_65 : vector<16xf32> to vector<1x16xf32>
      tpu.vector_store %arg8[%swap3A_66, %swap3A_67], %swap3A_70 {strides = array<i32>} : memref<128x128xf32, #tpu.memory_space<vmem>>, vector<1x16xf32>,
      %broadcast_in_dim3A_71 = arith.constant 0.000000e+00 : f32
      %broadcast_in_dim3A_72 = vector.broadcast %broadcast_in_dim3A_71 : f32 to vector<16xf32>
      %swap3A_73 = arith.index_cast %scan3A_37 : i32 to index
      %swap3A_74 = arith.constant 80 : index
      %swap3A_75 = tpu.vector_load %arg8[%swap3A_73, %swap3A_74] {strides = array<i32>} : memref<128x128xf32, #tpu.memory_space<vmem>>, vector<1x16xf32>,
      %swap3A_76 = vector.shape_cast %swap3A_75 : vector<1x16xf32> to vector<16xf32>
      %swap3A_77 = vector.shape_cast %broadcast_in_dim3A_72 : vector<16xf32> to vector<1x16xf32>
      tpu.vector_store %arg8[%swap3A_73, %swap3A_74], %swap3A_77 {strides = array<i32>} : memref<128x128xf32, #tpu.memory_space<vmem>>, vector<1x16xf32>,
      %broadcast_in_dim3A_78 = arith.constant 0.000000e+00 : f32
      %broadcast_in_dim3A_79 = vector.broadcast %broadcast_in_dim3A_78 : f32 to vector<16xf32>
      %swap3A_80 = arith.index_cast %scan3A_37 : i32 to index
      %swap3A_81 = arith.constant 96 : index
      %swap3A_82 = tpu.vector_load %arg8[%swap3A_80, %swap3A_81] {strides = array<i32>} : memref<128x128xf32, #tpu.memory_space<vmem>>, vector<1x16xf32>,
      %swap3A_83 = vector.shape_cast %swap3A_82 : vector<1x16xf32> to vector<16xf32>
      %swap3A_84 = vector.shape_cast %broadcast_in_dim3A_79 : vector<16xf32> to vector<1x16xf32>
      tpu.vector_store %arg8[%swap3A_80, %swap3A_81], %swap3A_84 {strides = array<i32>} : memref<128x128xf32, #tpu.memory_space<vmem>>, vector<1x16xf32>,
      %broadcast_in_dim3A_85 = arith.constant 0.000000e+00 : f32
      %broadcast_in_dim3A_86 = vector.broadcast %broadcast_in_dim3A_85 : f32 to vector<16xf32>
      %swap3A_87 = arith.index_cast %scan3A_37 : i32 to index
      %swap3A_88 = arith.constant 112 : index
      %swap3A_89 = tpu.vector_load %arg8[%swap3A_87, %swap3A_88] {strides = array<i32>} : memref<128x128xf32, #tpu.memory_space<vmem>>, vector<1x16xf32>,
      %swap3A_90 = vector.shape_cast %swap3A_89 : vector<1x16xf32> to vector<16xf32>
      %swap3A_91 = vector.shape_cast %broadcast_in_dim3A_86 : vector<16xf32> to vector<1x16xf32>
      tpu.vector_store %arg8[%swap3A_87, %swap3A_88], %swap3A_91 {strides = array<i32>} : memref<128x128xf32, #tpu.memory_space<vmem>>, vector<1x16xf32>,
    }
    %scan3A_5 = arith.constant 128 : i32
    %mul3A_6 = arith.constant 640 : i32
    %mul3A_7 = arith.muli %arg1, %mul3A_6 : i32
    %add3A_8 = arith.constant 0 : i32
    %add3A_9 = arith.addi %mul3A_7, %add3A_8 : i32
    "tpu.region"() ({
      %run_scoped3A = tpu.sem_alloc : memref<!tpu.dma_semaphore, #tpu.memory_space<semaphore_mem>>
      %dma_start3A = arith.constant 0 : i32
      %dma_start3A_37 = tpu.memref_slice %arg9[%add3A_9, %dma_start3A] : memref<10240x128xf32, #tpu.memory_space<vmem_shared>> -> memref<128x128xf32, #tpu.memory_space<vmem_shared>>
      %dma_start3A_38 = arith.constant 0 : i32
      %dma_start3A_39 = tpu.memref_slice %arg9[%add3A_9, %dma_start3A_38] : memref<10240x128xf32, #tpu.memory_space<vmem_shared>> -> memref<128x128xf32, #tpu.memory_space<vmem_shared>>
      tpu.enqueue_dma source(%arg8 : memref<128x128xf32, #tpu.memory_space<vmem>>) target(%dma_start3A_39 : memref<128x128xf32, #tpu.memory_space<vmem_shared>>) target_semaphore(%run_scoped3A : memref<!tpu.dma_semaphore, #tpu.memory_space<semaphore_mem>>)
      %dma_wait3A = arith.constant 0 : i32
      %dma_wait3A_40 = tpu.memref_slice %arg9[%add3A_9, %dma_wait3A] : memref<10240x128xf32, #tpu.memory_space<vmem_shared>> -> memref<128x128xf32, #tpu.memory_space<vmem_shared>>
      %dma_wait3A_41 = arith.constant 0 : i32
      %dma_wait3A_42 = tpu.memref_slice %arg9[%add3A_9, %dma_wait3A_41] : memref<10240x128xf32, #tpu.memory_space<vmem_shared>> -> memref<128x128xf32, #tpu.memory_space<vmem_shared>>
      tpu.wait_dma2 semaphore(%run_scoped3A : memref<!tpu.dma_semaphore, #tpu.memory_space<semaphore_mem>>) src(%arg8 : memref<128x128xf32, #tpu.memory_space<vmem>>) dst(%dma_wait3A_42 : memref<128x128xf32, #tpu.memory_space<vmem_shared>>)
      tpu.yield
    }) : () -> ()
    %mul3A_10 = arith.constant 640 : i32
    %mul3A_11 = arith.muli %arg1, %mul3A_10 : i32
    %add3A_12 = arith.constant 128 : i32
    %add3A_13 = arith.addi %mul3A_11, %add3A_12 : i32
    "tpu.region"() ({
      %run_scoped3A = tpu.sem_alloc : memref<!tpu.dma_semaphore, #tpu.memory_space<semaphore_mem>>
      %dma_start3A = arith.constant 0 : i32
      %dma_start3A_37 = tpu.memref_slice %arg9[%add3A_13, %dma_start3A] : memref<10240x128xf32, #tpu.memory_space<vmem_shared>> -> memref<128x128xf32, #tpu.memory_space<vmem_shared>>
      %dma_start3A_38 = arith.constant 0 : i32
      %dma_start3A_39 = tpu.memref_slice %arg9[%add3A_13, %dma_start3A_38] : memref<10240x128xf32, #tpu.memory_space<vmem_shared>> -> memref<128x128xf32, #tpu.memory_space<vmem_shared>>
      tpu.enqueue_dma source(%arg8 : memref<128x128xf32, #tpu.memory_space<vmem>>) target(%dma_start3A_39 : memref<128x128xf32, #tpu.memory_space<vmem_shared>>) target_semaphore(%run_scoped3A : memref<!tpu.dma_semaphore, #tpu.memory_space<semaphore_mem>>)
      %dma_wait3A = arith.constant 0 : i32
      %dma_wait3A_40 = tpu.memref_slice %arg9[%add3A_13, %dma_wait3A] : memref<10240x128xf32, #tpu.memory_space<vmem_shared>> -> memref<128x128xf32, #tpu.memory_space<vmem_shared>>
      %dma_wait3A_41 = arith.constant 0 : i32
      %dma_wait3A_42 = tpu.memref_slice %arg9[%add3A_13, %dma_wait3A_41] : memref<10240x128xf32, #tpu.memory_space<vmem_shared>> -> memref<128x128xf32, #tpu.memory_space<vmem_shared>>
      tpu.wait_dma2 semaphore(%run_scoped3A : memref<!tpu.dma_semaphore, #tpu.memory_space<semaphore_mem>>) src(%arg8 : memref<128x128xf32, #tpu.memory_space<vmem>>) dst(%dma_wait3A_42 : memref<128x128xf32, #tpu.memory_space<vmem_shared>>)
      tpu.yield
    }) : () -> ()
    %mul3A_14 = arith.constant 640 : i32
    %mul3A_15 = arith.muli %arg1, %mul3A_14 : i32
    %add3A_16 = arith.constant 256 : i32
    %add3A_17 = arith.addi %mul3A_15, %add3A_16 : i32
    "tpu.region"() ({
      %run_scoped3A = tpu.sem_alloc : memref<!tpu.dma_semaphore, #tpu.memory_space<semaphore_mem>>
      %dma_start3A = arith.constant 0 : i32
      %dma_start3A_37 = tpu.memref_slice %arg9[%add3A_17, %dma_start3A] : memref<10240x128xf32, #tpu.memory_space<vmem_shared>> -> memref<128x128xf32, #tpu.memory_space<vmem_shared>>
      %dma_start3A_38 = arith.constant 0 : i32
      %dma_start3A_39 = tpu.memref_slice %arg9[%add3A_17, %dma_start3A_38] : memref<10240x128xf32, #tpu.memory_space<vmem_shared>> -> memref<128x128xf32, #tpu.memory_space<vmem_shared>>
      tpu.enqueue_dma source(%arg8 : memref<128x128xf32, #tpu.memory_space<vmem>>) target(%dma_start3A_39 : memref<128x128xf32, #tpu.memory_space<vmem_shared>>) target_semaphore(%run_scoped3A : memref<!tpu.dma_semaphore, #tpu.memory_space<semaphore_mem>>)
      %dma_wait3A = arith.constant 0 : i32
      %dma_wait3A_40 = tpu.memref_slice %arg9[%add3A_17, %dma_wait3A] : memref<10240x128xf32, #tpu.memory_space<vmem_shared>> -> memref<128x128xf32, #tpu.memory_space<vmem_shared>>
      %dma_wait3A_41 = arith.constant 0 : i32
      %dma_wait3A_42 = tpu.memref_slice %arg9[%add3A_17, %dma_wait3A_41] : memref<10240x128xf32, #tpu.memory_space<vmem_shared>> -> memref<128x128xf32, #tpu.memory_space<vmem_shared>>
      tpu.wait_dma2 semaphore(%run_scoped3A : memref<!tpu.dma_semaphore, #tpu.memory_space<semaphore_mem>>) src(%arg8 : memref<128x128xf32, #tpu.memory_space<vmem>>) dst(%dma_wait3A_42 : memref<128x128xf32, #tpu.memory_space<vmem_shared>>)
      tpu.yield
    }) : () -> ()
    %mul3A_18 = arith.constant 640 : i32
    %mul3A_19 = arith.muli %arg1, %mul3A_18 : i32
    %add3A_20 = arith.constant 384 : i32
    %add3A_21 = arith.addi %mul3A_19, %add3A_20 : i32
    "tpu.region"() ({
      %run_scoped3A = tpu.sem_alloc : memref<!tpu.dma_semaphore, #tpu.memory_space<semaphore_mem>>
      %dma_start3A = arith.constant 0 : i32
      %dma_start3A_37 = tpu.memref_slice %arg9[%add3A_21, %dma_start3A] : memref<10240x128xf32, #tpu.memory_space<vmem_shared>> -> memref<128x128xf32, #tpu.memory_space<vmem_shared>>
      %dma_start3A_38 = arith.constant 0 : i32
      %dma_start3A_39 = tpu.memref_slice %arg9[%add3A_21, %dma_start3A_38] : memref<10240x128xf32, #tpu.memory_space<vmem_shared>> -> memref<128x128xf32, #tpu.memory_space<vmem_shared>>
      tpu.enqueue_dma source(%arg8 : memref<128x128xf32, #tpu.memory_space<vmem>>) target(%dma_start3A_39 : memref<128x128xf32, #tpu.memory_space<vmem_shared>>) target_semaphore(%run_scoped3A : memref<!tpu.dma_semaphore, #tpu.memory_space<semaphore_mem>>)
      %dma_wait3A = arith.constant 0 : i32
      %dma_wait3A_40 = tpu.memref_slice %arg9[%add3A_21, %dma_wait3A] : memref<10240x128xf32, #tpu.memory_space<vmem_shared>> -> memref<128x128xf32, #tpu.memory_space<vmem_shared>>
      %dma_wait3A_41 = arith.constant 0 : i32
      %dma_wait3A_42 = tpu.memref_slice %arg9[%add3A_21, %dma_wait3A_41] : memref<10240x128xf32, #tpu.memory_space<vmem_shared>> -> memref<128x128xf32, #tpu.memory_space<vmem_shared>>
      tpu.wait_dma2 semaphore(%run_scoped3A : memref<!tpu.dma_semaphore, #tpu.memory_space<semaphore_mem>>) src(%arg8 : memref<128x128xf32, #tpu.memory_space<vmem>>) dst(%dma_wait3A_42 : memref<128x128xf32, #tpu.memory_space<vmem_shared>>)
      tpu.yield
    }) : () -> ()
    %mul3A_22 = arith.constant 640 : i32
    %mul3A_23 = arith.muli %arg1, %mul3A_22 : i32
    %add3A_24 = arith.constant 512 : i32
    %add3A_25 = arith.addi %mul3A_23, %add3A_24 : i32
    "tpu.region"() ({
      %run_scoped3A = tpu.sem_alloc : memref<!tpu.dma_semaphore, #tpu.memory_space<semaphore_mem>>
      %dma_start3A = arith.constant 0 : i32
      %dma_start3A_37 = tpu.memref_slice %arg9[%add3A_25, %dma_start3A] : memref<10240x128xf32, #tpu.memory_space<vmem_shared>> -> memref<128x128xf32, #tpu.memory_space<vmem_shared>>
      %dma_start3A_38 = arith.constant 0 : i32
      %dma_start3A_39 = tpu.memref_slice %arg9[%add3A_25, %dma_start3A_38] : memref<10240x128xf32, #tpu.memory_space<vmem_shared>> -> memref<128x128xf32, #tpu.memory_space<vmem_shared>>
      tpu.enqueue_dma source(%arg8 : memref<128x128xf32, #tpu.memory_space<vmem>>) target(%dma_start3A_39 : memref<128x128xf32, #tpu.memory_space<vmem_shared>>) target_semaphore(%run_scoped3A : memref<!tpu.dma_semaphore, #tpu.memory_space<semaphore_mem>>)
      %dma_wait3A = arith.constant 0 : i32
      %dma_wait3A_40 = tpu.memref_slice %arg9[%add3A_25, %dma_wait3A] : memref<10240x128xf32, #tpu.memory_space<vmem_shared>> -> memref<128x128xf32, #tpu.memory_space<vmem_shared>>
      %dma_wait3A_41 = arith.constant 0 : i32
      %dma_wait3A_42 = tpu.memref_slice %arg9[%add3A_25, %dma_wait3A_41] : memref<10240x128xf32, #tpu.memory_space<vmem_shared>> -> memref<128x128xf32, #tpu.memory_space<vmem_shared>>
      tpu.wait_dma2 semaphore(%run_scoped3A : memref<!tpu.dma_semaphore, #tpu.memory_space<semaphore_mem>>) src(%arg8 : memref<128x128xf32, #tpu.memory_space<vmem>>) dst(%dma_wait3A_42 : memref<128x128xf32, #tpu.memory_space<vmem_shared>>)
      tpu.yield
    }) : () -> ()
    "tpu.region"() ({
      %run_scoped3A = tpu.sem_alloc : memref<!tpu.dma_semaphore, #tpu.memory_space<semaphore_mem>>
      %dma_start3A = arith.constant 0 : i32
      %dma_start3A_37 = arith.constant 0 : i32
      %dma_start3A_38 = tpu.memref_slice %arg3[%add3A, %dma_start3A, %dma_start3A_37] : memref<32x79x128xi32, #tpu.memory_space<hbm>> -> memref<1x79x128xi32, #tpu.memory_space<hbm>>
      %dma_start3A_39 = tpu.memref_squeeze %dma_start3A_38 : memref<1x79x128xi32, #tpu.memory_space<hbm>> -> memref<79x128xi32, #tpu.memory_space<hbm>>
      %dma_start3A_40 = arith.constant 0 : i32
      %dma_start3A_41 = arith.constant 0 : i32
      %dma_start3A_42 = tpu.memref_slice %arg3[%add3A, %dma_start3A_40, %dma_start3A_41] : memref<32x79x128xi32, #tpu.memory_space<hbm>> -> memref<1x79x128xi32, #tpu.memory_space<hbm>>
      %dma_start3A_43 = tpu.memref_squeeze %dma_start3A_42 : memref<1x79x128xi32, #tpu.memory_space<hbm>> -> memref<79x128xi32, #tpu.memory_space<hbm>>
      tpu.enqueue_dma source(%dma_start3A_43 : memref<79x128xi32, #tpu.memory_space<hbm>>) target(%arg6 : memref<79x128xi32, #tpu.memory_space<vmem>>) target_semaphore(%run_scoped3A : memref<!tpu.dma_semaphore, #tpu.memory_space<semaphore_mem>>)
      %dma_wait3A = arith.constant 0 : i32
      %dma_wait3A_44 = arith.constant 0 : i32
      %dma_wait3A_45 = tpu.memref_slice %arg3[%add3A, %dma_wait3A, %dma_wait3A_44] : memref<32x79x128xi32, #tpu.memory_space<hbm>> -> memref<1x79x128xi32, #tpu.memory_space<hbm>>
      %dma_wait3A_46 = tpu.memref_squeeze %dma_wait3A_45 : memref<1x79x128xi32, #tpu.memory_space<hbm>> -> memref<79x128xi32, #tpu.memory_space<hbm>>
      %dma_wait3A_47 = arith.constant 0 : i32
      %dma_wait3A_48 = arith.constant 0 : i32
      %dma_wait3A_49 = tpu.memref_slice %arg3[%add3A, %dma_wait3A_47, %dma_wait3A_48] : memref<32x79x128xi32, #tpu.memory_space<hbm>> -> memref<1x79x128xi32, #tpu.memory_space<hbm>>
      %dma_wait3A_50 = tpu.memref_squeeze %dma_wait3A_49 : memref<1x79x128xi32, #tpu.memory_space<hbm>> -> memref<79x128xi32, #tpu.memory_space<hbm>>
      tpu.wait_dma2 semaphore(%run_scoped3A : memref<!tpu.dma_semaphore, #tpu.memory_space<semaphore_mem>>) src(%dma_wait3A_50 : memref<79x128xi32, #tpu.memory_space<hbm>>) dst(%arg6 : memref<79x128xi32, #tpu.memory_space<vmem>>)
      tpu.yield
    }) : () -> ()
    "tpu.region"() ({
      %run_scoped3A = tpu.sem_alloc : memref<!tpu.dma_semaphore, #tpu.memory_space<semaphore_mem>>
      %dma_start3A = arith.constant 0 : i32
      %dma_start3A_37 = arith.constant 0 : i32
      %dma_start3A_38 = tpu.memref_slice %arg4[%add3A, %dma_start3A, %dma_start3A_37] : memref<32x79x128xi32, #tpu.memory_space<hbm>> -> memref<1x79x128xi32, #tpu.memory_space<hbm>>
      %dma_start3A_39 = tpu.memref_squeeze %dma_start3A_38 : memref<1x79x128xi32, #tpu.memory_space<hbm>> -> memref<79x128xi32, #tpu.memory_space<hbm>>
      %dma_start3A_40 = arith.constant 0 : i32
      %dma_start3A_41 = arith.constant 0 : i32
      %dma_start3A_42 = tpu.memref_slice %arg4[%add3A, %dma_start3A_40, %dma_start3A_41] : memref<32x79x128xi32, #tpu.memory_space<hbm>> -> memref<1x79x128xi32, #tpu.memory_space<hbm>>
      %dma_start3A_43 = tpu.memref_squeeze %dma_start3A_42 : memref<1x79x128xi32, #tpu.memory_space<hbm>> -> memref<79x128xi32, #tpu.memory_space<hbm>>
      tpu.enqueue_dma source(%dma_start3A_43 : memref<79x128xi32, #tpu.memory_space<hbm>>) target(%arg7 : memref<79x128xi32, #tpu.memory_space<vmem>>) target_semaphore(%run_scoped3A : memref<!tpu.dma_semaphore, #tpu.memory_space<semaphore_mem>>)
      %dma_wait3A = arith.constant 0 : i32
      %dma_wait3A_44 = arith.constant 0 : i32
      %dma_wait3A_45 = tpu.memref_slice %arg4[%add3A, %dma_wait3A, %dma_wait3A_44] : memref<32x79x128xi32, #tpu.memory_space<hbm>> -> memref<1x79x128xi32, #tpu.memory_space<hbm>>
      %dma_wait3A_46 = tpu.memref_squeeze %dma_wait3A_45 : memref<1x79x128xi32, #tpu.memory_space<hbm>> -> memref<79x128xi32, #tpu.memory_space<hbm>>
      %dma_wait3A_47 = arith.constant 0 : i32
      %dma_wait3A_48 = arith.constant 0 : i32
      %dma_wait3A_49 = tpu.memref_slice %arg4[%add3A, %dma_wait3A_47, %dma_wait3A_48] : memref<32x79x128xi32, #tpu.memory_space<hbm>> -> memref<1x79x128xi32, #tpu.memory_space<hbm>>
      %dma_wait3A_50 = tpu.memref_squeeze %dma_wait3A_49 : memref<1x79x128xi32, #tpu.memory_space<hbm>> -> memref<79x128xi32, #tpu.memory_space<hbm>>
      tpu.wait_dma2 semaphore(%run_scoped3A : memref<!tpu.dma_semaphore, #tpu.memory_space<semaphore_mem>>) src(%dma_wait3A_50 : memref<79x128xi32, #tpu.memory_space<hbm>>) dst(%arg7 : memref<79x128xi32, #tpu.memory_space<vmem>>)
      tpu.yield
    }) : () -> ()
    %barrier3A = arith.constant 0 : index
    tpu.barrier barrier_id(%barrier3A)
    %scan3A_26 = arith.constant 0 : i32
    %scan3A_27 = arith.constant 0 : i32
    %scan3A_28 = arith.constant 79 : i32
    %scan3A_29 = arith.addi %scan3A_27, %scan3A_28 : i32
    %scan3A_30 = arith.constant 1 : i32
    scf.for %scan3A_37 = %scan3A_27 to %scan3A_29 step %scan3A_30  : i32 {
      %dma_start3A = arith.constant 0 : i32
      %dma_start3A_38 = tpu.memref_slice %arg6[%scan3A_37, %dma_start3A] : memref<79x128xi32, #tpu.memory_space<vmem>> -> memref<1x128xi32, #tpu.memory_space<vmem>>
      %dma_start3A_39 = tpu.memref_squeeze %dma_start3A_38 : memref<1x128xi32, #tpu.memory_space<vmem>> -> memref<128xi32, #tpu.memory_space<vmem>>
      %dma_start3A_40 = arith.constant 0 : i32
      %dma_start3A_41 = arith.constant 0 : i32
      %dma_start3A_42 = tpu.memref_slice %arg2[%dma_start3A_40, %dma_start3A_41] : memref<10000x128xf32, #tpu.memory_space<hbm>> -> memref<10000x128xf32, #tpu.memory_space<hbm>>
      tpu.enqueue_indirect_dma source(%dma_start3A_42 : memref<10000x128xf32, #tpu.memory_space<hbm>>) target(%arg8 : memref<128x128xf32, #tpu.memory_space<vmem>>) offsets(%dma_start3A_39 : memref<128xi32, #tpu.memory_space<vmem>>) semaphore(%arg10 : memref<!tpu.dma_semaphore, #tpu.memory_space<semaphore_mem>>)
      %dma_wait3A = arith.constant 0 : i32
      %dma_wait3A_43 = tpu.memref_slice %arg6[%scan3A_37, %dma_wait3A] : memref<79x128xi32, #tpu.memory_space<vmem>> -> memref<1x128xi32, #tpu.memory_space<vmem>>
      %dma_wait3A_44 = tpu.memref_squeeze %dma_wait3A_43 : memref<1x128xi32, #tpu.memory_space<vmem>> -> memref<128xi32, #tpu.memory_space<vmem>>
      %dma_wait3A_45 = arith.constant 0 : i32
      %dma_wait3A_46 = arith.constant 0 : i32
      %dma_wait3A_47 = tpu.memref_slice %arg2[%dma_wait3A_45, %dma_wait3A_46] : memref<10000x128xf32, #tpu.memory_space<hbm>> -> memref<10000x128xf32, #tpu.memory_space<hbm>>
      tpu.wait_indirect_dma semaphore(%arg10 : memref<!tpu.dma_semaphore, #tpu.memory_space<semaphore_mem>>) src(%dma_wait3A_47 : memref<10000x128xf32, #tpu.memory_space<hbm>>) dst(%arg8 : memref<128x128xf32, #tpu.memory_space<vmem>>)
      "tpu.region"() ({
        %run_scoped3A = tpu.sem_alloc : memref<!tpu.dma_semaphore, #tpu.memory_space<semaphore_mem>>
        %dma_start3A_48 = arith.constant 0 : i32
        %dma_start3A_49 = tpu.memref_slice %arg7[%scan3A_37, %dma_start3A_48] : memref<79x128xi32, #tpu.memory_space<vmem>> -> memref<1x128xi32, #tpu.memory_space<vmem>>
        %dma_start3A_50 = tpu.memref_squeeze %dma_start3A_49 : memref<1x128xi32, #tpu.memory_space<vmem>> -> memref<128xi32, #tpu.memory_space<vmem>>
        %dma_start3A_51 = arith.constant 0 : i32
        %dma_start3A_52 = arith.constant 0 : i32
        %dma_start3A_53 = tpu.memref_slice %arg9[%dma_start3A_51, %dma_start3A_52] : memref<10240x128xf32, #tpu.memory_space<vmem_shared>> -> memref<10240x128xf32, #tpu.memory_space<vmem_shared>>
        tpu.enqueue_indirect_dma source(%arg8 : memref<128x128xf32, #tpu.memory_space<vmem>>) target(%dma_start3A_53 : memref<10240x128xf32, #tpu.memory_space<vmem_shared>>) offsets(%dma_start3A_50 : memref<128xi32, #tpu.memory_space<vmem>>) semaphore(%run_scoped3A : memref<!tpu.dma_semaphore, #tpu.memory_space<semaphore_mem>>) {add = true}
        %dma_wait3A_54 = arith.constant 0 : i32
        %dma_wait3A_55 = tpu.memref_slice %arg7[%scan3A_37, %dma_wait3A_54] : memref<79x128xi32, #tpu.memory_space<vmem>> -> memref<1x128xi32, #tpu.memory_space<vmem>>
        %dma_wait3A_56 = tpu.memref_squeeze %dma_wait3A_55 : memref<1x128xi32, #tpu.memory_space<vmem>> -> memref<128xi32, #tpu.memory_space<vmem>>
        %dma_wait3A_57 = arith.constant 0 : i32
        %dma_wait3A_58 = arith.constant 0 : i32
        %dma_wait3A_59 = tpu.memref_slice %arg9[%dma_wait3A_57, %dma_wait3A_58] : memref<10240x128xf32, #tpu.memory_space<vmem_shared>> -> memref<10240x128xf32, #tpu.memory_space<vmem_shared>>
        tpu.wait_indirect_dma semaphore(%run_scoped3A : memref<!tpu.dma_semaphore, #tpu.memory_space<semaphore_mem>>) src(%arg8 : memref<128x128xf32, #tpu.memory_space<vmem>>) dst(%dma_wait3A_59 : memref<10240x128xf32, #tpu.memory_space<vmem_shared>>)
        tpu.yield
      }) : () -> ()
    }
    %scan3A_31 = arith.constant 79 : i32
    %barrier3A_32 = arith.constant 0 : index
    tpu.barrier barrier_id(%barrier3A_32)
    %mul3A_33 = arith.constant 640 : i32
    %mul3A_34 = arith.muli %arg1, %mul3A_33 : i32
    %mul3A_35 = arith.constant 640 : i32
    %mul3A_36 = arith.muli %arg1, %mul3A_35 : i32
    "tpu.region"() ({
      %run_scoped3A = tpu.sem_alloc : memref<!tpu.dma_semaphore, #tpu.memory_space<semaphore_mem>>
      %dma_start3A = arith.constant 0 : i32
      %dma_start3A_37 = tpu.memref_slice %arg5[%arg0, %mul3A_36, %dma_start3A] : memref<2x10240x128xf32, #tpu.memory_space<hbm>> -> memref<1x640x128xf32, #tpu.memory_space<hbm>>
      %dma_start3A_38 = tpu.memref_squeeze %dma_start3A_37 : memref<1x640x128xf32, #tpu.memory_space<hbm>> -> memref<640x128xf32, #tpu.memory_space<hbm>>
      %dma_start3A_39 = arith.constant 0 : i32
      %dma_start3A_40 = tpu.memref_slice %arg9[%mul3A_34, %dma_start3A_39] : memref<10240x128xf32, #tpu.memory_space<vmem_shared>> -> memref<640x128xf32, #tpu.memory_space<vmem_shared>>
      tpu.enqueue_dma source(%dma_start3A_40 : memref<640x128xf32, #tpu.memory_space<vmem_shared>>) target(%dma_start3A_38 : memref<640x128xf32, #tpu.memory_space<hbm>>) target_semaphore(%run_scoped3A : memref<!tpu.dma_semaphore, #tpu.memory_space<semaphore_mem>>)
      %dma_wait3A = arith.constant 0 : i32
      %dma_wait3A_41 = tpu.memref_slice %arg5[%arg0, %mul3A_36, %dma_wait3A] : memref<2x10240x128xf32, #tpu.memory_space<hbm>> -> memref<1x640x128xf32, #tpu.memory_space<hbm>>
      %dma_wait3A_42 = tpu.memref_squeeze %dma_wait3A_41 : memref<1x640x128xf32, #tpu.memory_space<hbm>> -> memref<640x128xf32, #tpu.memory_space<hbm>>
      %dma_wait3A_43 = arith.constant 0 : i32
      %dma_wait3A_44 = tpu.memref_slice %arg9[%mul3A_34, %dma_wait3A_43] : memref<10240x128xf32, #tpu.memory_space<vmem_shared>> -> memref<640x128xf32, #tpu.memory_space<vmem_shared>>
      tpu.wait_dma2 semaphore(%run_scoped3A : memref<!tpu.dma_semaphore, #tpu.memory_space<semaphore_mem>>) src(%dma_wait3A_44 : memref<640x128xf32, #tpu.memory_space<vmem_shared>>) dst(%dma_wait3A_42 : memref<640x128xf32, #tpu.memory_space<hbm>>)
      tpu.yield
    }) : () -> ()
    return
  }
}

#map = affine_map<(d0, d1) -> (0, 0, 0)>
#map1 = affine_map<(d0, d1) -> (0)>
module attributes {stable_mosaic.version = 14 : i64} {
  func.func @deg_kernel(%arg0: i32, %arg1: i32, %arg2: memref<32x79x128xi32, #tpu.memory_space<hbm>>, %arg3: memref<20480xf32, #tpu.memory_space<hbm>>, %arg4: memref<79x128xi32, #tpu.memory_space<vmem>>, %arg5: memref<128xf32, #tpu.memory_space<vmem>>, %arg6: memref<640xf32, #tpu.memory_space<vmem>>, %arg7: memref<10240xf32, #tpu.memory_space<vmem_shared>>) attributes {dimension_semantics = [#tpu.dimension_semantics<core_parallel>, #tpu.dimension_semantics<subcore_parallel>], iteration_bounds = array<i64: 2, 16>, scalar_prefetch = 0 : i64, scratch_operands = 4 : i64, tpu.core_type = #tpu.core_type<sc_vector_subcore>, window_params = [{transform_indices = #map}, {transform_indices = #map1}]} {
    %mul3A = arith.constant 2 : i32
    %mul3A_0 = arith.muli %arg1, %mul3A : i32
    %add3A = arith.addi %mul3A_0, %arg0 : i32
    %broadcast_in_dim3A = arith.constant 1.000000e+00 : f32
    %broadcast_in_dim3A_1 = vector.broadcast %broadcast_in_dim3A : f32 to vector<16xf32>
    %swap3A = arith.constant 0 : index
    %swap3A_2 = tpu.vector_load %arg5[%swap3A] {strides = array<i32>} : memref<128xf32, #tpu.memory_space<vmem>>, vector<16xf32>,
    %swap3A_3 = vector.shape_cast %swap3A_2 : vector<16xf32> to vector<16xf32>
    %swap3A_4 = vector.shape_cast %broadcast_in_dim3A_1 : vector<16xf32> to vector<16xf32>
    tpu.vector_store %arg5[%swap3A], %swap3A_4 {strides = array<i32>} : memref<128xf32, #tpu.memory_space<vmem>>, vector<16xf32>,
    %broadcast_in_dim3A_5 = arith.constant 1.000000e+00 : f32
    %broadcast_in_dim3A_6 = vector.broadcast %broadcast_in_dim3A_5 : f32 to vector<16xf32>
    %swap3A_7 = arith.constant 16 : index
    %swap3A_8 = tpu.vector_load %arg5[%swap3A_7] {strides = array<i32>} : memref<128xf32, #tpu.memory_space<vmem>>, vector<16xf32>,
    %swap3A_9 = vector.shape_cast %swap3A_8 : vector<16xf32> to vector<16xf32>
    %swap3A_10 = vector.shape_cast %broadcast_in_dim3A_6 : vector<16xf32> to vector<16xf32>
    tpu.vector_store %arg5[%swap3A_7], %swap3A_10 {strides = array<i32>} : memref<128xf32, #tpu.memory_space<vmem>>, vector<16xf32>,
    %broadcast_in_dim3A_11 = arith.constant 1.000000e+00 : f32
    %broadcast_in_dim3A_12 = vector.broadcast %broadcast_in_dim3A_11 : f32 to vector<16xf32>
    %swap3A_13 = arith.constant 32 : index
    %swap3A_14 = tpu.vector_load %arg5[%swap3A_13] {strides = array<i32>} : memref<128xf32, #tpu.memory_space<vmem>>, vector<16xf32>,
    %swap3A_15 = vector.shape_cast %swap3A_14 : vector<16xf32> to vector<16xf32>
    %swap3A_16 = vector.shape_cast %broadcast_in_dim3A_12 : vector<16xf32> to vector<16xf32>
    tpu.vector_store %arg5[%swap3A_13], %swap3A_16 {strides = array<i32>} : memref<128xf32, #tpu.memory_space<vmem>>, vector<16xf32>,
    %broadcast_in_dim3A_17 = arith.constant 1.000000e+00 : f32
    %broadcast_in_dim3A_18 = vector.broadcast %broadcast_in_dim3A_17 : f32 to vector<16xf32>
    %swap3A_19 = arith.constant 48 : index
    %swap3A_20 = tpu.vector_load %arg5[%swap3A_19] {strides = array<i32>} : memref<128xf32, #tpu.memory_space<vmem>>, vector<16xf32>,
    %swap3A_21 = vector.shape_cast %swap3A_20 : vector<16xf32> to vector<16xf32>
    %swap3A_22 = vector.shape_cast %broadcast_in_dim3A_18 : vector<16xf32> to vector<16xf32>
    tpu.vector_store %arg5[%swap3A_19], %swap3A_22 {strides = array<i32>} : memref<128xf32, #tpu.memory_space<vmem>>, vector<16xf32>,
    %broadcast_in_dim3A_23 = arith.constant 1.000000e+00 : f32
    %broadcast_in_dim3A_24 = vector.broadcast %broadcast_in_dim3A_23 : f32 to vector<16xf32>
    %swap3A_25 = arith.constant 64 : index
    %swap3A_26 = tpu.vector_load %arg5[%swap3A_25] {strides = array<i32>} : memref<128xf32, #tpu.memory_space<vmem>>, vector<16xf32>,
    %swap3A_27 = vector.shape_cast %swap3A_26 : vector<16xf32> to vector<16xf32>
    %swap3A_28 = vector.shape_cast %broadcast_in_dim3A_24 : vector<16xf32> to vector<16xf32>
    tpu.vector_store %arg5[%swap3A_25], %swap3A_28 {strides = array<i32>} : memref<128xf32, #tpu.memory_space<vmem>>, vector<16xf32>,
    %broadcast_in_dim3A_29 = arith.constant 1.000000e+00 : f32
    %broadcast_in_dim3A_30 = vector.broadcast %broadcast_in_dim3A_29 : f32 to vector<16xf32>
    %swap3A_31 = arith.constant 80 : index
    %swap3A_32 = tpu.vector_load %arg5[%swap3A_31] {strides = array<i32>} : memref<128xf32, #tpu.memory_space<vmem>>, vector<16xf32>,
    %swap3A_33 = vector.shape_cast %swap3A_32 : vector<16xf32> to vector<16xf32>
    %swap3A_34 = vector.shape_cast %broadcast_in_dim3A_30 : vector<16xf32> to vector<16xf32>
    tpu.vector_store %arg5[%swap3A_31], %swap3A_34 {strides = array<i32>} : memref<128xf32, #tpu.memory_space<vmem>>, vector<16xf32>,
    %broadcast_in_dim3A_35 = arith.constant 1.000000e+00 : f32
    %broadcast_in_dim3A_36 = vector.broadcast %broadcast_in_dim3A_35 : f32 to vector<16xf32>
    %swap3A_37 = arith.constant 96 : index
    %swap3A_38 = tpu.vector_load %arg5[%swap3A_37] {strides = array<i32>} : memref<128xf32, #tpu.memory_space<vmem>>, vector<16xf32>,
    %swap3A_39 = vector.shape_cast %swap3A_38 : vector<16xf32> to vector<16xf32>
    %swap3A_40 = vector.shape_cast %broadcast_in_dim3A_36 : vector<16xf32> to vector<16xf32>
    tpu.vector_store %arg5[%swap3A_37], %swap3A_40 {strides = array<i32>} : memref<128xf32, #tpu.memory_space<vmem>>, vector<16xf32>,
    %broadcast_in_dim3A_41 = arith.constant 1.000000e+00 : f32
    %broadcast_in_dim3A_42 = vector.broadcast %broadcast_in_dim3A_41 : f32 to vector<16xf32>
    %swap3A_43 = arith.constant 112 : index
    %swap3A_44 = tpu.vector_load %arg5[%swap3A_43] {strides = array<i32>} : memref<128xf32, #tpu.memory_space<vmem>>, vector<16xf32>,
    %swap3A_45 = vector.shape_cast %swap3A_44 : vector<16xf32> to vector<16xf32>
    %swap3A_46 = vector.shape_cast %broadcast_in_dim3A_42 : vector<16xf32> to vector<16xf32>
    tpu.vector_store %arg5[%swap3A_43], %swap3A_46 {strides = array<i32>} : memref<128xf32, #tpu.memory_space<vmem>>, vector<16xf32>,
    %scan3A = arith.constant 0 : i32
    %scan3A_47 = arith.constant 0 : i32
    %scan3A_48 = arith.constant 40 : i32
    %scan3A_49 = arith.addi %scan3A_47, %scan3A_48 : i32
    %scan3A_50 = arith.constant 1 : i32
    scf.for %scan3A_68 = %scan3A_47 to %scan3A_49 step %scan3A_50  : i32 {
      %broadcast_in_dim3A_69 = arith.constant 0.000000e+00 : f32
      %broadcast_in_dim3A_70 = vector.broadcast %broadcast_in_dim3A_69 : f32 to vector<16xf32>
      %mul3A_71 = arith.constant 16 : i32
      %mul3A_72 = arith.muli %scan3A_68, %mul3A_71 : i32
      %swap3A_73 = arith.index_cast %mul3A_72 : i32 to index
      %swap3A_74 = tpu.vector_load %arg6[%swap3A_73] {strides = array<i32>} : memref<640xf32, #tpu.memory_space<vmem>>, vector<16xf32>,
      %swap3A_75 = vector.shape_cast %swap3A_74 : vector<16xf32> to vector<16xf32>
      %swap3A_76 = vector.shape_cast %broadcast_in_dim3A_70 : vector<16xf32> to vector<16xf32>
      tpu.vector_store %arg6[%swap3A_73], %swap3A_76 {strides = array<i32>} : memref<640xf32, #tpu.memory_space<vmem>>, vector<16xf32>,
    }
    %scan3A_51 = arith.constant 40 : i32
    %mul3A_52 = arith.constant 640 : i32
    %mul3A_53 = arith.muli %arg1, %mul3A_52 : i32
    "tpu.region"() ({
      %run_scoped3A = tpu.sem_alloc : memref<!tpu.dma_semaphore, #tpu.memory_space<semaphore_mem>>
      %dma_start3A = tpu.memref_slice %arg7[%mul3A_53] : memref<10240xf32, #tpu.memory_space<vmem_shared>> -> memref<640xf32, #tpu.memory_space<vmem_shared>>
      %dma_start3A_68 = tpu.memref_slice %arg7[%mul3A_53] : memref<10240xf32, #tpu.memory_space<vmem_shared>> -> memref<640xf32, #tpu.memory_space<vmem_shared>>
      tpu.enqueue_dma source(%arg6 : memref<640xf32, #tpu.memory_space<vmem>>) target(%dma_start3A_68 : memref<640xf32, #tpu.memory_space<vmem_shared>>) target_semaphore(%run_scoped3A : memref<!tpu.dma_semaphore, #tpu.memory_space<semaphore_mem>>)
      %dma_wait3A = tpu.memref_slice %arg7[%mul3A_53] : memref<10240xf32, #tpu.memory_space<vmem_shared>> -> memref<640xf32, #tpu.memory_space<vmem_shared>>
      %dma_wait3A_69 = tpu.memref_slice %arg7[%mul3A_53] : memref<10240xf32, #tpu.memory_space<vmem_shared>> -> memref<640xf32, #tpu.memory_space<vmem_shared>>
      tpu.wait_dma2 semaphore(%run_scoped3A : memref<!tpu.dma_semaphore, #tpu.memory_space<semaphore_mem>>) src(%arg6 : memref<640xf32, #tpu.memory_space<vmem>>) dst(%dma_wait3A_69 : memref<640xf32, #tpu.memory_space<vmem_shared>>)
      tpu.yield
    }) : () -> ()
    "tpu.region"() ({
      %run_scoped3A = tpu.sem_alloc : memref<!tpu.dma_semaphore, #tpu.memory_space<semaphore_mem>>
      %dma_start3A = arith.constant 0 : i32
      %dma_start3A_68 = arith.constant 0 : i32
      %dma_start3A_69 = tpu.memref_slice %arg2[%add3A, %dma_start3A, %dma_start3A_68] : memref<32x79x128xi32, #tpu.memory_space<hbm>> -> memref<1x79x128xi32, #tpu.memory_space<hbm>>
      %dma_start3A_70 = tpu.memref_squeeze %dma_start3A_69 : memref<1x79x128xi32, #tpu.memory_space<hbm>> -> memref<79x128xi32, #tpu.memory_space<hbm>>
      %dma_start3A_71 = arith.constant 0 : i32
      %dma_start3A_72 = arith.constant 0 : i32
      %dma_start3A_73 = tpu.memref_slice %arg2[%add3A, %dma_start3A_71, %dma_start3A_72] : memref<32x79x128xi32, #tpu.memory_space<hbm>> -> memref<1x79x128xi32, #tpu.memory_space<hbm>>
      %dma_start3A_74 = tpu.memref_squeeze %dma_start3A_73 : memref<1x79x128xi32, #tpu.memory_space<hbm>> -> memref<79x128xi32, #tpu.memory_space<hbm>>
      tpu.enqueue_dma source(%dma_start3A_74 : memref<79x128xi32, #tpu.memory_space<hbm>>) target(%arg4 : memref<79x128xi32, #tpu.memory_space<vmem>>) target_semaphore(%run_scoped3A : memref<!tpu.dma_semaphore, #tpu.memory_space<semaphore_mem>>)
      %dma_wait3A = arith.constant 0 : i32
      %dma_wait3A_75 = arith.constant 0 : i32
      %dma_wait3A_76 = tpu.memref_slice %arg2[%add3A, %dma_wait3A, %dma_wait3A_75] : memref<32x79x128xi32, #tpu.memory_space<hbm>> -> memref<1x79x128xi32, #tpu.memory_space<hbm>>
      %dma_wait3A_77 = tpu.memref_squeeze %dma_wait3A_76 : memref<1x79x128xi32, #tpu.memory_space<hbm>> -> memref<79x128xi32, #tpu.memory_space<hbm>>
      %dma_wait3A_78 = arith.constant 0 : i32
      %dma_wait3A_79 = arith.constant 0 : i32
      %dma_wait3A_80 = tpu.memref_slice %arg2[%add3A, %dma_wait3A_78, %dma_wait3A_79] : memref<32x79x128xi32, #tpu.memory_space<hbm>> -> memref<1x79x128xi32, #tpu.memory_space<hbm>>
      %dma_wait3A_81 = tpu.memref_squeeze %dma_wait3A_80 : memref<1x79x128xi32, #tpu.memory_space<hbm>> -> memref<79x128xi32, #tpu.memory_space<hbm>>
      tpu.wait_dma2 semaphore(%run_scoped3A : memref<!tpu.dma_semaphore, #tpu.memory_space<semaphore_mem>>) src(%dma_wait3A_81 : memref<79x128xi32, #tpu.memory_space<hbm>>) dst(%arg4 : memref<79x128xi32, #tpu.memory_space<vmem>>)
      tpu.yield
    }) : () -> ()
    %barrier3A = arith.constant 0 : index
    tpu.barrier barrier_id(%barrier3A)
    %scan3A_54 = arith.constant 0 : i32
    %scan3A_55 = arith.constant 0 : i32
    %scan3A_56 = arith.constant 79 : i32
    %scan3A_57 = arith.addi %scan3A_55, %scan3A_56 : i32
    %scan3A_58 = arith.constant 1 : i32
    scf.for %scan3A_68 = %scan3A_55 to %scan3A_57 step %scan3A_58  : i32 {
      "tpu.region"() ({
        %run_scoped3A = tpu.sem_alloc : memref<!tpu.dma_semaphore, #tpu.memory_space<semaphore_mem>>
        %dma_start3A = arith.constant 0 : i32
        %dma_start3A_69 = tpu.memref_slice %arg4[%scan3A_68, %dma_start3A] : memref<79x128xi32, #tpu.memory_space<vmem>> -> memref<1x128xi32, #tpu.memory_space<vmem>>
        %dma_start3A_70 = tpu.memref_squeeze %dma_start3A_69 : memref<1x128xi32, #tpu.memory_space<vmem>> -> memref<128xi32, #tpu.memory_space<vmem>>
        %dma_start3A_71 = arith.constant 0 : i32
        %dma_start3A_72 = tpu.memref_slice %arg7[%dma_start3A_71] : memref<10240xf32, #tpu.memory_space<vmem_shared>> -> memref<10240xf32, #tpu.memory_space<vmem_shared>>
        tpu.enqueue_indirect_dma source(%arg5 : memref<128xf32, #tpu.memory_space<vmem>>) target(%dma_start3A_72 : memref<10240xf32, #tpu.memory_space<vmem_shared>>) offsets(%dma_start3A_70 : memref<128xi32, #tpu.memory_space<vmem>>) semaphore(%run_scoped3A : memref<!tpu.dma_semaphore, #tpu.memory_space<semaphore_mem>>) {add = true}
        %dma_wait3A = arith.constant 0 : i32
        %dma_wait3A_73 = tpu.memref_slice %arg4[%scan3A_68, %dma_wait3A] : memref<79x128xi32, #tpu.memory_space<vmem>> -> memref<1x128xi32, #tpu.memory_space<vmem>>
        %dma_wait3A_74 = tpu.memref_squeeze %dma_wait3A_73 : memref<1x128xi32, #tpu.memory_space<vmem>> -> memref<128xi32, #tpu.memory_space<vmem>>
        %dma_wait3A_75 = arith.constant 0 : i32
        %dma_wait3A_76 = tpu.memref_slice %arg7[%dma_wait3A_75] : memref<10240xf32, #tpu.memory_space<vmem_shared>> -> memref<10240xf32, #tpu.memory_space<vmem_shared>>
        tpu.wait_indirect_dma semaphore(%run_scoped3A : memref<!tpu.dma_semaphore, #tpu.memory_space<semaphore_mem>>) src(%arg5 : memref<128xf32, #tpu.memory_space<vmem>>) dst(%dma_wait3A_76 : memref<10240xf32, #tpu.memory_space<vmem_shared>>)
        tpu.yield
      }) : () -> ()
    }
    %scan3A_59 = arith.constant 79 : i32
    %barrier3A_60 = arith.constant 0 : index
    tpu.barrier barrier_id(%barrier3A_60)
    %mul3A_61 = arith.constant 640 : i32
    %mul3A_62 = arith.muli %arg1, %mul3A_61 : i32
    %mul3A_63 = arith.constant 10240 : i32
    %mul3A_64 = arith.muli %arg0, %mul3A_63 : i32
    %mul3A_65 = arith.constant 640 : i32
    %mul3A_66 = arith.muli %arg1, %mul3A_65 : i32
    %add3A_67 = arith.addi %mul3A_64, %mul3A_66 : i32
    "tpu.region"() ({
      %run_scoped3A = tpu.sem_alloc : memref<!tpu.dma_semaphore, #tpu.memory_space<semaphore_mem>>
      %dma_start3A = tpu.memref_slice %arg3[%add3A_67] : memref<20480xf32, #tpu.memory_space<hbm>> -> memref<640xf32, #tpu.memory_space<hbm>>
      %dma_start3A_68 = tpu.memref_slice %arg7[%mul3A_62] : memref<10240xf32, #tpu.memory_space<vmem_shared>> -> memref<640xf32, #tpu.memory_space<vmem_shared>>
      tpu.enqueue_dma source(%dma_start3A_68 : memref<640xf32, #tpu.memory_space<vmem_shared>>) target(%dma_start3A : memref<640xf32, #tpu.memory_space<hbm>>) target_semaphore(%run_scoped3A : memref<!tpu.dma_semaphore, #tpu.memory_space<semaphore_mem>>)
      %dma_wait3A = tpu.memref_slice %arg3[%add3A_67] : memref<20480xf32, #tpu.memory_space<hbm>> -> memref<640xf32, #tpu.memory_space<hbm>>
      %dma_wait3A_69 = tpu.memref_slice %arg7[%mul3A_62] : memref<10240xf32, #tpu.memory_space<vmem_shared>> -> memref<640xf32, #tpu.memory_space<vmem_shared>>
      tpu.wait_dma2 semaphore(%run_scoped3A : memref<!tpu.dma_semaphore, #tpu.memory_space<semaphore_mem>>) src(%dma_wait3A_69 : memref<640xf32, #tpu.memory_space<vmem_shared>>) dst(%dma_wait3A : memref<640xf32, #tpu.memory_space<hbm>>)
      tpu.yield
    }) : () -> ()
    return
  }
}

#map = affine_map<(d0, d1) -> (0, 0)>
#map1 = affine_map<(d0, d1) -> (0, 0, 0)>
module attributes {stable_mosaic.version = 14 : i64} {
  func.func @scat_kernel(%arg0: i32, %arg1: i32, %arg2: memref<10000x128xf32, #tpu.memory_space<hbm>>, %arg3: memref<32x79x128xi32, #tpu.memory_space<hbm>>, %arg4: memref<32x79x128xi32, #tpu.memory_space<hbm>>, %arg5: memref<2x10240x128xf32, #tpu.memory_space<hbm>>, %arg6: memref<79x128xi32, #tpu.memory_space<vmem>>, %arg7: memref<79x128xi32, #tpu.memory_space<vmem>>, %arg8: memref<128x128xf32, #tpu.memory_space<vmem>>, %arg9: memref<10240x128xf32, #tpu.memory_space<vmem_shared>>, %arg10: memref<!tpu.dma_semaphore, #tpu.memory_space<semaphore_mem>>) attributes {dimension_semantics = [#tpu.dimension_semantics<core_parallel>, #tpu.dimension_semantics<subcore_parallel>], iteration_bounds = array<i64: 2, 16>, scalar_prefetch = 0 : i64, scratch_operands = 5 : i64, tpu.core_type = #tpu.core_type<sc_vector_subcore>, window_params = [{transform_indices = #map}, {transform_indices = #map1}, {transform_indices = #map1}, {transform_indices = #map1}]} {
    %mul3A = arith.constant 2 : i32
    %mul3A_0 = arith.muli %arg1, %mul3A : i32
    %add3A = arith.addi %mul3A_0, %arg0 : i32
    %scan3A = arith.constant 0 : i32
    %scan3A_1 = arith.constant 0 : i32
    %scan3A_2 = arith.constant 128 : i32
    %scan3A_3 = arith.addi %scan3A_1, %scan3A_2 : i32
    %scan3A_4 = arith.constant 1 : i32
    scf.for %scan3A_37 = %scan3A_1 to %scan3A_3 step %scan3A_4  : i32 {
      %broadcast_in_dim3A = arith.constant 0.000000e+00 : f32
      %broadcast_in_dim3A_38 = vector.broadcast %broadcast_in_dim3A : f32 to vector<16xf32>
      %swap3A = arith.index_cast %scan3A_37 : i32 to index
      %swap3A_39 = arith.constant 0 : index
      %swap3A_40 = tpu.vector_load %arg8[%swap3A, %swap3A_39] {strides = array<i32>} : memref<128x128xf32, #tpu.memory_space<vmem>>, vector<1x16xf32>,
      %swap3A_41 = vector.shape_cast %swap3A_40 : vector<1x16xf32> to vector<16xf32>
      %swap3A_42 = vector.shape_cast %broadcast_in_dim3A_38 : vector<16xf32> to vector<1x16xf32>
      tpu.vector_store %arg8[%swap3A, %swap3A_39], %swap3A_42 {strides = array<i32>} : memref<128x128xf32, #tpu.memory_space<vmem>>, vector<1x16xf32>,
      %broadcast_in_dim3A_43 = arith.constant 0.000000e+00 : f32
      %broadcast_in_dim3A_44 = vector.broadcast %broadcast_in_dim3A_43 : f32 to vector<16xf32>
      %swap3A_45 = arith.index_cast %scan3A_37 : i32 to index
      %swap3A_46 = arith.constant 16 : index
      %swap3A_47 = tpu.vector_load %arg8[%swap3A_45, %swap3A_46] {strides = array<i32>} : memref<128x128xf32, #tpu.memory_space<vmem>>, vector<1x16xf32>,
      %swap3A_48 = vector.shape_cast %swap3A_47 : vector<1x16xf32> to vector<16xf32>
      %swap3A_49 = vector.shape_cast %broadcast_in_dim3A_44 : vector<16xf32> to vector<1x16xf32>
      tpu.vector_store %arg8[%swap3A_45, %swap3A_46], %swap3A_49 {strides = array<i32>} : memref<128x128xf32, #tpu.memory_space<vmem>>, vector<1x16xf32>,
      %broadcast_in_dim3A_50 = arith.constant 0.000000e+00 : f32
      %broadcast_in_dim3A_51 = vector.broadcast %broadcast_in_dim3A_50 : f32 to vector<16xf32>
      %swap3A_52 = arith.index_cast %scan3A_37 : i32 to index
      %swap3A_53 = arith.constant 32 : index
      %swap3A_54 = tpu.vector_load %arg8[%swap3A_52, %swap3A_53] {strides = array<i32>} : memref<128x128xf32, #tpu.memory_space<vmem>>, vector<1x16xf32>,
      %swap3A_55 = vector.shape_cast %swap3A_54 : vector<1x16xf32> to vector<16xf32>
      %swap3A_56 = vector.shape_cast %broadcast_in_dim3A_51 : vector<16xf32> to vector<1x16xf32>
      tpu.vector_store %arg8[%swap3A_52, %swap3A_53], %swap3A_56 {strides = array<i32>} : memref<128x128xf32, #tpu.memory_space<vmem>>, vector<1x16xf32>,
      %broadcast_in_dim3A_57 = arith.constant 0.000000e+00 : f32
      %broadcast_in_dim3A_58 = vector.broadcast %broadcast_in_dim3A_57 : f32 to vector<16xf32>
      %swap3A_59 = arith.index_cast %scan3A_37 : i32 to index
      %swap3A_60 = arith.constant 48 : index
      %swap3A_61 = tpu.vector_load %arg8[%swap3A_59, %swap3A_60] {strides = array<i32>} : memref<128x128xf32, #tpu.memory_space<vmem>>, vector<1x16xf32>,
      %swap3A_62 = vector.shape_cast %swap3A_61 : vector<1x16xf32> to vector<16xf32>
      %swap3A_63 = vector.shape_cast %broadcast_in_dim3A_58 : vector<16xf32> to vector<1x16xf32>
      tpu.vector_store %arg8[%swap3A_59, %swap3A_60], %swap3A_63 {strides = array<i32>} : memref<128x128xf32, #tpu.memory_space<vmem>>, vector<1x16xf32>,
      %broadcast_in_dim3A_64 = arith.constant 0.000000e+00 : f32
      %broadcast_in_dim3A_65 = vector.broadcast %broadcast_in_dim3A_64 : f32 to vector<16xf32>
      %swap3A_66 = arith.index_cast %scan3A_37 : i32 to index
      %swap3A_67 = arith.constant 64 : index
      %swap3A_68 = tpu.vector_load %arg8[%swap3A_66, %swap3A_67] {strides = array<i32>} : memref<128x128xf32, #tpu.memory_space<vmem>>, vector<1x16xf32>,
      %swap3A_69 = vector.shape_cast %swap3A_68 : vector<1x16xf32> to vector<16xf32>
      %swap3A_70 = vector.shape_cast %broadcast_in_dim3A_65 : vector<16xf32> to vector<1x16xf32>
      tpu.vector_store %arg8[%swap3A_66, %swap3A_67], %swap3A_70 {strides = array<i32>} : memref<128x128xf32, #tpu.memory_space<vmem>>, vector<1x16xf32>,
      %broadcast_in_dim3A_71 = arith.constant 0.000000e+00 : f32
      %broadcast_in_dim3A_72 = vector.broadcast %broadcast_in_dim3A_71 : f32 to vector<16xf32>
      %swap3A_73 = arith.index_cast %scan3A_37 : i32 to index
      %swap3A_74 = arith.constant 80 : index
      %swap3A_75 = tpu.vector_load %arg8[%swap3A_73, %swap3A_74] {strides = array<i32>} : memref<128x128xf32, #tpu.memory_space<vmem>>, vector<1x16xf32>,
      %swap3A_76 = vector.shape_cast %swap3A_75 : vector<1x16xf32> to vector<16xf32>
      %swap3A_77 = vector.shape_cast %broadcast_in_dim3A_72 : vector<16xf32> to vector<1x16xf32>
      tpu.vector_store %arg8[%swap3A_73, %swap3A_74], %swap3A_77 {strides = array<i32>} : memref<128x128xf32, #tpu.memory_space<vmem>>, vector<1x16xf32>,
      %broadcast_in_dim3A_78 = arith.constant 0.000000e+00 : f32
      %broadcast_in_dim3A_79 = vector.broadcast %broadcast_in_dim3A_78 : f32 to vector<16xf32>
      %swap3A_80 = arith.index_cast %scan3A_37 : i32 to index
      %swap3A_81 = arith.constant 96 : index
      %swap3A_82 = tpu.vector_load %arg8[%swap3A_80, %swap3A_81] {strides = array<i32>} : memref<128x128xf32, #tpu.memory_space<vmem>>, vector<1x16xf32>,
      %swap3A_83 = vector.shape_cast %swap3A_82 : vector<1x16xf32> to vector<16xf32>
      %swap3A_84 = vector.shape_cast %broadcast_in_dim3A_79 : vector<16xf32> to vector<1x16xf32>
      tpu.vector_store %arg8[%swap3A_80, %swap3A_81], %swap3A_84 {strides = array<i32>} : memref<128x128xf32, #tpu.memory_space<vmem>>, vector<1x16xf32>,
      %broadcast_in_dim3A_85 = arith.constant 0.000000e+00 : f32
      %broadcast_in_dim3A_86 = vector.broadcast %broadcast_in_dim3A_85 : f32 to vector<16xf32>
      %swap3A_87 = arith.index_cast %scan3A_37 : i32 to index
      %swap3A_88 = arith.constant 112 : index
      %swap3A_89 = tpu.vector_load %arg8[%swap3A_87, %swap3A_88] {strides = array<i32>} : memref<128x128xf32, #tpu.memory_space<vmem>>, vector<1x16xf32>,
      %swap3A_90 = vector.shape_cast %swap3A_89 : vector<1x16xf32> to vector<16xf32>
      %swap3A_91 = vector.shape_cast %broadcast_in_dim3A_86 : vector<16xf32> to vector<1x16xf32>
      tpu.vector_store %arg8[%swap3A_87, %swap3A_88], %swap3A_91 {strides = array<i32>} : memref<128x128xf32, #tpu.memory_space<vmem>>, vector<1x16xf32>,
    }
    %scan3A_5 = arith.constant 128 : i32
    %mul3A_6 = arith.constant 640 : i32
    %mul3A_7 = arith.muli %arg1, %mul3A_6 : i32
    %add3A_8 = arith.constant 0 : i32
    %add3A_9 = arith.addi %mul3A_7, %add3A_8 : i32
    "tpu.region"() ({
      %run_scoped3A = tpu.sem_alloc : memref<!tpu.dma_semaphore, #tpu.memory_space<semaphore_mem>>
      %dma_start3A = arith.constant 0 : i32
      %dma_start3A_37 = tpu.memref_slice %arg9[%add3A_9, %dma_start3A] : memref<10240x128xf32, #tpu.memory_space<vmem_shared>> -> memref<128x128xf32, #tpu.memory_space<vmem_shared>>
      %dma_start3A_38 = arith.constant 0 : i32
      %dma_start3A_39 = tpu.memref_slice %arg9[%add3A_9, %dma_start3A_38] : memref<10240x128xf32, #tpu.memory_space<vmem_shared>> -> memref<128x128xf32, #tpu.memory_space<vmem_shared>>
      tpu.enqueue_dma source(%arg8 : memref<128x128xf32, #tpu.memory_space<vmem>>) target(%dma_start3A_39 : memref<128x128xf32, #tpu.memory_space<vmem_shared>>) target_semaphore(%run_scoped3A : memref<!tpu.dma_semaphore, #tpu.memory_space<semaphore_mem>>)
      %dma_wait3A = arith.constant 0 : i32
      %dma_wait3A_40 = tpu.memref_slice %arg9[%add3A_9, %dma_wait3A] : memref<10240x128xf32, #tpu.memory_space<vmem_shared>> -> memref<128x128xf32, #tpu.memory_space<vmem_shared>>
      %dma_wait3A_41 = arith.constant 0 : i32
      %dma_wait3A_42 = tpu.memref_slice %arg9[%add3A_9, %dma_wait3A_41] : memref<10240x128xf32, #tpu.memory_space<vmem_shared>> -> memref<128x128xf32, #tpu.memory_space<vmem_shared>>
      tpu.wait_dma2 semaphore(%run_scoped3A : memref<!tpu.dma_semaphore, #tpu.memory_space<semaphore_mem>>) src(%arg8 : memref<128x128xf32, #tpu.memory_space<vmem>>) dst(%dma_wait3A_42 : memref<128x128xf32, #tpu.memory_space<vmem_shared>>)
      tpu.yield
    }) : () -> ()
    %mul3A_10 = arith.constant 640 : i32
    %mul3A_11 = arith.muli %arg1, %mul3A_10 : i32
    %add3A_12 = arith.constant 128 : i32
    %add3A_13 = arith.addi %mul3A_11, %add3A_12 : i32
    "tpu.region"() ({
      %run_scoped3A = tpu.sem_alloc : memref<!tpu.dma_semaphore, #tpu.memory_space<semaphore_mem>>
      %dma_start3A = arith.constant 0 : i32
      %dma_start3A_37 = tpu.memref_slice %arg9[%add3A_13, %dma_start3A] : memref<10240x128xf32, #tpu.memory_space<vmem_shared>> -> memref<128x128xf32, #tpu.memory_space<vmem_shared>>
      %dma_start3A_38 = arith.constant 0 : i32
      %dma_start3A_39 = tpu.memref_slice %arg9[%add3A_13, %dma_start3A_38] : memref<10240x128xf32, #tpu.memory_space<vmem_shared>> -> memref<128x128xf32, #tpu.memory_space<vmem_shared>>
      tpu.enqueue_dma source(%arg8 : memref<128x128xf32, #tpu.memory_space<vmem>>) target(%dma_start3A_39 : memref<128x128xf32, #tpu.memory_space<vmem_shared>>) target_semaphore(%run_scoped3A : memref<!tpu.dma_semaphore, #tpu.memory_space<semaphore_mem>>)
      %dma_wait3A = arith.constant 0 : i32
      %dma_wait3A_40 = tpu.memref_slice %arg9[%add3A_13, %dma_wait3A] : memref<10240x128xf32, #tpu.memory_space<vmem_shared>> -> memref<128x128xf32, #tpu.memory_space<vmem_shared>>
      %dma_wait3A_41 = arith.constant 0 : i32
      %dma_wait3A_42 = tpu.memref_slice %arg9[%add3A_13, %dma_wait3A_41] : memref<10240x128xf32, #tpu.memory_space<vmem_shared>> -> memref<128x128xf32, #tpu.memory_space<vmem_shared>>
      tpu.wait_dma2 semaphore(%run_scoped3A : memref<!tpu.dma_semaphore, #tpu.memory_space<semaphore_mem>>) src(%arg8 : memref<128x128xf32, #tpu.memory_space<vmem>>) dst(%dma_wait3A_42 : memref<128x128xf32, #tpu.memory_space<vmem_shared>>)
      tpu.yield
    }) : () -> ()
    %mul3A_14 = arith.constant 640 : i32
    %mul3A_15 = arith.muli %arg1, %mul3A_14 : i32
    %add3A_16 = arith.constant 256 : i32
    %add3A_17 = arith.addi %mul3A_15, %add3A_16 : i32
    "tpu.region"() ({
      %run_scoped3A = tpu.sem_alloc : memref<!tpu.dma_semaphore, #tpu.memory_space<semaphore_mem>>
      %dma_start3A = arith.constant 0 : i32
      %dma_start3A_37 = tpu.memref_slice %arg9[%add3A_17, %dma_start3A] : memref<10240x128xf32, #tpu.memory_space<vmem_shared>> -> memref<128x128xf32, #tpu.memory_space<vmem_shared>>
      %dma_start3A_38 = arith.constant 0 : i32
      %dma_start3A_39 = tpu.memref_slice %arg9[%add3A_17, %dma_start3A_38] : memref<10240x128xf32, #tpu.memory_space<vmem_shared>> -> memref<128x128xf32, #tpu.memory_space<vmem_shared>>
      tpu.enqueue_dma source(%arg8 : memref<128x128xf32, #tpu.memory_space<vmem>>) target(%dma_start3A_39 : memref<128x128xf32, #tpu.memory_space<vmem_shared>>) target_semaphore(%run_scoped3A : memref<!tpu.dma_semaphore, #tpu.memory_space<semaphore_mem>>)
      %dma_wait3A = arith.constant 0 : i32
      %dma_wait3A_40 = tpu.memref_slice %arg9[%add3A_17, %dma_wait3A] : memref<10240x128xf32, #tpu.memory_space<vmem_shared>> -> memref<128x128xf32, #tpu.memory_space<vmem_shared>>
      %dma_wait3A_41 = arith.constant 0 : i32
      %dma_wait3A_42 = tpu.memref_slice %arg9[%add3A_17, %dma_wait3A_41] : memref<10240x128xf32, #tpu.memory_space<vmem_shared>> -> memref<128x128xf32, #tpu.memory_space<vmem_shared>>
      tpu.wait_dma2 semaphore(%run_scoped3A : memref<!tpu.dma_semaphore, #tpu.memory_space<semaphore_mem>>) src(%arg8 : memref<128x128xf32, #tpu.memory_space<vmem>>) dst(%dma_wait3A_42 : memref<128x128xf32, #tpu.memory_space<vmem_shared>>)
      tpu.yield
    }) : () -> ()
    %mul3A_18 = arith.constant 640 : i32
    %mul3A_19 = arith.muli %arg1, %mul3A_18 : i32
    %add3A_20 = arith.constant 384 : i32
    %add3A_21 = arith.addi %mul3A_19, %add3A_20 : i32
    "tpu.region"() ({
      %run_scoped3A = tpu.sem_alloc : memref<!tpu.dma_semaphore, #tpu.memory_space<semaphore_mem>>
      %dma_start3A = arith.constant 0 : i32
      %dma_start3A_37 = tpu.memref_slice %arg9[%add3A_21, %dma_start3A] : memref<10240x128xf32, #tpu.memory_space<vmem_shared>> -> memref<128x128xf32, #tpu.memory_space<vmem_shared>>
      %dma_start3A_38 = arith.constant 0 : i32
      %dma_start3A_39 = tpu.memref_slice %arg9[%add3A_21, %dma_start3A_38] : memref<10240x128xf32, #tpu.memory_space<vmem_shared>> -> memref<128x128xf32, #tpu.memory_space<vmem_shared>>
      tpu.enqueue_dma source(%arg8 : memref<128x128xf32, #tpu.memory_space<vmem>>) target(%dma_start3A_39 : memref<128x128xf32, #tpu.memory_space<vmem_shared>>) target_semaphore(%run_scoped3A : memref<!tpu.dma_semaphore, #tpu.memory_space<semaphore_mem>>)
      %dma_wait3A = arith.constant 0 : i32
      %dma_wait3A_40 = tpu.memref_slice %arg9[%add3A_21, %dma_wait3A] : memref<10240x128xf32, #tpu.memory_space<vmem_shared>> -> memref<128x128xf32, #tpu.memory_space<vmem_shared>>
      %dma_wait3A_41 = arith.constant 0 : i32
      %dma_wait3A_42 = tpu.memref_slice %arg9[%add3A_21, %dma_wait3A_41] : memref<10240x128xf32, #tpu.memory_space<vmem_shared>> -> memref<128x128xf32, #tpu.memory_space<vmem_shared>>
      tpu.wait_dma2 semaphore(%run_scoped3A : memref<!tpu.dma_semaphore, #tpu.memory_space<semaphore_mem>>) src(%arg8 : memref<128x128xf32, #tpu.memory_space<vmem>>) dst(%dma_wait3A_42 : memref<128x128xf32, #tpu.memory_space<vmem_shared>>)
      tpu.yield
    }) : () -> ()
    %mul3A_22 = arith.constant 640 : i32
    %mul3A_23 = arith.muli %arg1, %mul3A_22 : i32
    %add3A_24 = arith.constant 512 : i32
    %add3A_25 = arith.addi %mul3A_23, %add3A_24 : i32
    "tpu.region"() ({
      %run_scoped3A = tpu.sem_alloc : memref<!tpu.dma_semaphore, #tpu.memory_space<semaphore_mem>>
      %dma_start3A = arith.constant 0 : i32
      %dma_start3A_37 = tpu.memref_slice %arg9[%add3A_25, %dma_start3A] : memref<10240x128xf32, #tpu.memory_space<vmem_shared>> -> memref<128x128xf32, #tpu.memory_space<vmem_shared>>
      %dma_start3A_38 = arith.constant 0 : i32
      %dma_start3A_39 = tpu.memref_slice %arg9[%add3A_25, %dma_start3A_38] : memref<10240x128xf32, #tpu.memory_space<vmem_shared>> -> memref<128x128xf32, #tpu.memory_space<vmem_shared>>
      tpu.enqueue_dma source(%arg8 : memref<128x128xf32, #tpu.memory_space<vmem>>) target(%dma_start3A_39 : memref<128x128xf32, #tpu.memory_space<vmem_shared>>) target_semaphore(%run_scoped3A : memref<!tpu.dma_semaphore, #tpu.memory_space<semaphore_mem>>)
      %dma_wait3A = arith.constant 0 : i32
      %dma_wait3A_40 = tpu.memref_slice %arg9[%add3A_25, %dma_wait3A] : memref<10240x128xf32, #tpu.memory_space<vmem_shared>> -> memref<128x128xf32, #tpu.memory_space<vmem_shared>>
      %dma_wait3A_41 = arith.constant 0 : i32
      %dma_wait3A_42 = tpu.memref_slice %arg9[%add3A_25, %dma_wait3A_41] : memref<10240x128xf32, #tpu.memory_space<vmem_shared>> -> memref<128x128xf32, #tpu.memory_space<vmem_shared>>
      tpu.wait_dma2 semaphore(%run_scoped3A : memref<!tpu.dma_semaphore, #tpu.memory_space<semaphore_mem>>) src(%arg8 : memref<128x128xf32, #tpu.memory_space<vmem>>) dst(%dma_wait3A_42 : memref<128x128xf32, #tpu.memory_space<vmem_shared>>)
      tpu.yield
    }) : () -> ()
    "tpu.region"() ({
      %run_scoped3A = tpu.sem_alloc : memref<!tpu.dma_semaphore, #tpu.memory_space<semaphore_mem>>
      %dma_start3A = arith.constant 0 : i32
      %dma_start3A_37 = arith.constant 0 : i32
      %dma_start3A_38 = tpu.memref_slice %arg3[%add3A, %dma_start3A, %dma_start3A_37] : memref<32x79x128xi32, #tpu.memory_space<hbm>> -> memref<1x79x128xi32, #tpu.memory_space<hbm>>
      %dma_start3A_39 = tpu.memref_squeeze %dma_start3A_38 : memref<1x79x128xi32, #tpu.memory_space<hbm>> -> memref<79x128xi32, #tpu.memory_space<hbm>>
      %dma_start3A_40 = arith.constant 0 : i32
      %dma_start3A_41 = arith.constant 0 : i32
      %dma_start3A_42 = tpu.memref_slice %arg3[%add3A, %dma_start3A_40, %dma_start3A_41] : memref<32x79x128xi32, #tpu.memory_space<hbm>> -> memref<1x79x128xi32, #tpu.memory_space<hbm>>
      %dma_start3A_43 = tpu.memref_squeeze %dma_start3A_42 : memref<1x79x128xi32, #tpu.memory_space<hbm>> -> memref<79x128xi32, #tpu.memory_space<hbm>>
      tpu.enqueue_dma source(%dma_start3A_43 : memref<79x128xi32, #tpu.memory_space<hbm>>) target(%arg6 : memref<79x128xi32, #tpu.memory_space<vmem>>) target_semaphore(%run_scoped3A : memref<!tpu.dma_semaphore, #tpu.memory_space<semaphore_mem>>)
      %dma_wait3A = arith.constant 0 : i32
      %dma_wait3A_44 = arith.constant 0 : i32
      %dma_wait3A_45 = tpu.memref_slice %arg3[%add3A, %dma_wait3A, %dma_wait3A_44] : memref<32x79x128xi32, #tpu.memory_space<hbm>> -> memref<1x79x128xi32, #tpu.memory_space<hbm>>
      %dma_wait3A_46 = tpu.memref_squeeze %dma_wait3A_45 : memref<1x79x128xi32, #tpu.memory_space<hbm>> -> memref<79x128xi32, #tpu.memory_space<hbm>>
      %dma_wait3A_47 = arith.constant 0 : i32
      %dma_wait3A_48 = arith.constant 0 : i32
      %dma_wait3A_49 = tpu.memref_slice %arg3[%add3A, %dma_wait3A_47, %dma_wait3A_48] : memref<32x79x128xi32, #tpu.memory_space<hbm>> -> memref<1x79x128xi32, #tpu.memory_space<hbm>>
      %dma_wait3A_50 = tpu.memref_squeeze %dma_wait3A_49 : memref<1x79x128xi32, #tpu.memory_space<hbm>> -> memref<79x128xi32, #tpu.memory_space<hbm>>
      tpu.wait_dma2 semaphore(%run_scoped3A : memref<!tpu.dma_semaphore, #tpu.memory_space<semaphore_mem>>) src(%dma_wait3A_50 : memref<79x128xi32, #tpu.memory_space<hbm>>) dst(%arg6 : memref<79x128xi32, #tpu.memory_space<vmem>>)
      tpu.yield
    }) : () -> ()
    "tpu.region"() ({
      %run_scoped3A = tpu.sem_alloc : memref<!tpu.dma_semaphore, #tpu.memory_space<semaphore_mem>>
      %dma_start3A = arith.constant 0 : i32
      %dma_start3A_37 = arith.constant 0 : i32
      %dma_start3A_38 = tpu.memref_slice %arg4[%add3A, %dma_start3A, %dma_start3A_37] : memref<32x79x128xi32, #tpu.memory_space<hbm>> -> memref<1x79x128xi32, #tpu.memory_space<hbm>>
      %dma_start3A_39 = tpu.memref_squeeze %dma_start3A_38 : memref<1x79x128xi32, #tpu.memory_space<hbm>> -> memref<79x128xi32, #tpu.memory_space<hbm>>
      %dma_start3A_40 = arith.constant 0 : i32
      %dma_start3A_41 = arith.constant 0 : i32
      %dma_start3A_42 = tpu.memref_slice %arg4[%add3A, %dma_start3A_40, %dma_start3A_41] : memref<32x79x128xi32, #tpu.memory_space<hbm>> -> memref<1x79x128xi32, #tpu.memory_space<hbm>>
      %dma_start3A_43 = tpu.memref_squeeze %dma_start3A_42 : memref<1x79x128xi32, #tpu.memory_space<hbm>> -> memref<79x128xi32, #tpu.memory_space<hbm>>
      tpu.enqueue_dma source(%dma_start3A_43 : memref<79x128xi32, #tpu.memory_space<hbm>>) target(%arg7 : memref<79x128xi32, #tpu.memory_space<vmem>>) target_semaphore(%run_scoped3A : memref<!tpu.dma_semaphore, #tpu.memory_space<semaphore_mem>>)
      %dma_wait3A = arith.constant 0 : i32
      %dma_wait3A_44 = arith.constant 0 : i32
      %dma_wait3A_45 = tpu.memref_slice %arg4[%add3A, %dma_wait3A, %dma_wait3A_44] : memref<32x79x128xi32, #tpu.memory_space<hbm>> -> memref<1x79x128xi32, #tpu.memory_space<hbm>>
      %dma_wait3A_46 = tpu.memref_squeeze %dma_wait3A_45 : memref<1x79x128xi32, #tpu.memory_space<hbm>> -> memref<79x128xi32, #tpu.memory_space<hbm>>
      %dma_wait3A_47 = arith.constant 0 : i32
      %dma_wait3A_48 = arith.constant 0 : i32
      %dma_wait3A_49 = tpu.memref_slice %arg4[%add3A, %dma_wait3A_47, %dma_wait3A_48] : memref<32x79x128xi32, #tpu.memory_space<hbm>> -> memref<1x79x128xi32, #tpu.memory_space<hbm>>
      %dma_wait3A_50 = tpu.memref_squeeze %dma_wait3A_49 : memref<1x79x128xi32, #tpu.memory_space<hbm>> -> memref<79x128xi32, #tpu.memory_space<hbm>>
      tpu.wait_dma2 semaphore(%run_scoped3A : memref<!tpu.dma_semaphore, #tpu.memory_space<semaphore_mem>>) src(%dma_wait3A_50 : memref<79x128xi32, #tpu.memory_space<hbm>>) dst(%arg7 : memref<79x128xi32, #tpu.memory_space<vmem>>)
      tpu.yield
    }) : () -> ()
    %barrier3A = arith.constant 0 : index
    tpu.barrier barrier_id(%barrier3A)
    %scan3A_26 = arith.constant 0 : i32
    %scan3A_27 = arith.constant 0 : i32
    %scan3A_28 = arith.constant 79 : i32
    %scan3A_29 = arith.addi %scan3A_27, %scan3A_28 : i32
    %scan3A_30 = arith.constant 1 : i32
    scf.for %scan3A_37 = %scan3A_27 to %scan3A_29 step %scan3A_30  : i32 {
      %dma_start3A = arith.constant 0 : i32
      %dma_start3A_38 = tpu.memref_slice %arg6[%scan3A_37, %dma_start3A] : memref<79x128xi32, #tpu.memory_space<vmem>> -> memref<1x128xi32, #tpu.memory_space<vmem>>
      %dma_start3A_39 = tpu.memref_squeeze %dma_start3A_38 : memref<1x128xi32, #tpu.memory_space<vmem>> -> memref<128xi32, #tpu.memory_space<vmem>>
      %dma_start3A_40 = arith.constant 0 : i32
      %dma_start3A_41 = arith.constant 0 : i32
      %dma_start3A_42 = tpu.memref_slice %arg2[%dma_start3A_40, %dma_start3A_41] : memref<10000x128xf32, #tpu.memory_space<hbm>> -> memref<10000x128xf32, #tpu.memory_space<hbm>>
      tpu.enqueue_indirect_dma source(%dma_start3A_42 : memref<10000x128xf32, #tpu.memory_space<hbm>>) target(%arg8 : memref<128x128xf32, #tpu.memory_space<vmem>>) offsets(%dma_start3A_39 : memref<128xi32, #tpu.memory_space<vmem>>) semaphore(%arg10 : memref<!tpu.dma_semaphore, #tpu.memory_space<semaphore_mem>>)
      %dma_wait3A = arith.constant 0 : i32
      %dma_wait3A_43 = tpu.memref_slice %arg6[%scan3A_37, %dma_wait3A] : memref<79x128xi32, #tpu.memory_space<vmem>> -> memref<1x128xi32, #tpu.memory_space<vmem>>
      %dma_wait3A_44 = tpu.memref_squeeze %dma_wait3A_43 : memref<1x128xi32, #tpu.memory_space<vmem>> -> memref<128xi32, #tpu.memory_space<vmem>>
      %dma_wait3A_45 = arith.constant 0 : i32
      %dma_wait3A_46 = arith.constant 0 : i32
      %dma_wait3A_47 = tpu.memref_slice %arg2[%dma_wait3A_45, %dma_wait3A_46] : memref<10000x128xf32, #tpu.memory_space<hbm>> -> memref<10000x128xf32, #tpu.memory_space<hbm>>
      tpu.wait_indirect_dma semaphore(%arg10 : memref<!tpu.dma_semaphore, #tpu.memory_space<semaphore_mem>>) src(%dma_wait3A_47 : memref<10000x128xf32, #tpu.memory_space<hbm>>) dst(%arg8 : memref<128x128xf32, #tpu.memory_space<vmem>>)
      "tpu.region"() ({
        %run_scoped3A = tpu.sem_alloc : memref<!tpu.dma_semaphore, #tpu.memory_space<semaphore_mem>>
        %dma_start3A_48 = arith.constant 0 : i32
        %dma_start3A_49 = tpu.memref_slice %arg7[%scan3A_37, %dma_start3A_48] : memref<79x128xi32, #tpu.memory_space<vmem>> -> memref<1x128xi32, #tpu.memory_space<vmem>>
        %dma_start3A_50 = tpu.memref_squeeze %dma_start3A_49 : memref<1x128xi32, #tpu.memory_space<vmem>> -> memref<128xi32, #tpu.memory_space<vmem>>
        %dma_start3A_51 = arith.constant 0 : i32
        %dma_start3A_52 = arith.constant 0 : i32
        %dma_start3A_53 = tpu.memref_slice %arg9[%dma_start3A_51, %dma_start3A_52] : memref<10240x128xf32, #tpu.memory_space<vmem_shared>> -> memref<10240x128xf32, #tpu.memory_space<vmem_shared>>
        tpu.enqueue_indirect_dma source(%arg8 : memref<128x128xf32, #tpu.memory_space<vmem>>) target(%dma_start3A_53 : memref<10240x128xf32, #tpu.memory_space<vmem_shared>>) offsets(%dma_start3A_50 : memref<128xi32, #tpu.memory_space<vmem>>) semaphore(%run_scoped3A : memref<!tpu.dma_semaphore, #tpu.memory_space<semaphore_mem>>) {add = true}
        %dma_wait3A_54 = arith.constant 0 : i32
        %dma_wait3A_55 = tpu.memref_slice %arg7[%scan3A_37, %dma_wait3A_54] : memref<79x128xi32, #tpu.memory_space<vmem>> -> memref<1x128xi32, #tpu.memory_space<vmem>>
        %dma_wait3A_56 = tpu.memref_squeeze %dma_wait3A_55 : memref<1x128xi32, #tpu.memory_space<vmem>> -> memref<128xi32, #tpu.memory_space<vmem>>
        %dma_wait3A_57 = arith.constant 0 : i32
        %dma_wait3A_58 = arith.constant 0 : i32
        %dma_wait3A_59 = tpu.memref_slice %arg9[%dma_wait3A_57, %dma_wait3A_58] : memref<10240x128xf32, #tpu.memory_space<vmem_shared>> -> memref<10240x128xf32, #tpu.memory_space<vmem_shared>>
        tpu.wait_indirect_dma semaphore(%run_scoped3A : memref<!tpu.dma_semaphore, #tpu.memory_space<semaphore_mem>>) src(%arg8 : memref<128x128xf32, #tpu.memory_space<vmem>>) dst(%dma_wait3A_59 : memref<10240x128xf32, #tpu.memory_space<vmem_shared>>)
        tpu.yield
      }) : () -> ()
    }
    %scan3A_31 = arith.constant 79 : i32
    %barrier3A_32 = arith.constant 0 : index
    tpu.barrier barrier_id(%barrier3A_32)
    %mul3A_33 = arith.constant 640 : i32
    %mul3A_34 = arith.muli %arg1, %mul3A_33 : i32
    %mul3A_35 = arith.constant 640 : i32
    %mul3A_36 = arith.muli %arg1, %mul3A_35 : i32
    "tpu.region"() ({
      %run_scoped3A = tpu.sem_alloc : memref<!tpu.dma_semaphore, #tpu.memory_space<semaphore_mem>>
      %dma_start3A = arith.constant 0 : i32
      %dma_start3A_37 = tpu.memref_slice %arg5[%arg0, %mul3A_36, %dma_start3A] : memref<2x10240x128xf32, #tpu.memory_space<hbm>> -> memref<1x640x128xf32, #tpu.memory_space<hbm>>
      %dma_start3A_38 = tpu.memref_squeeze %dma_start3A_37 : memref<1x640x128xf32, #tpu.memory_space<hbm>> -> memref<640x128xf32, #tpu.memory_space<hbm>>
      %dma_start3A_39 = arith.constant 0 : i32
      %dma_start3A_40 = tpu.memref_slice %arg9[%mul3A_34, %dma_start3A_39] : memref<10240x128xf32, #tpu.memory_space<vmem_shared>> -> memref<640x128xf32, #tpu.memory_space<vmem_shared>>
      tpu.enqueue_dma source(%dma_start3A_40 : memref<640x128xf32, #tpu.memory_space<vmem_shared>>) target(%dma_start3A_38 : memref<640x128xf32, #tpu.memory_space<hbm>>) target_semaphore(%run_scoped3A : memref<!tpu.dma_semaphore, #tpu.memory_space<semaphore_mem>>)
      %dma_wait3A = arith.constant 0 : i32
      %dma_wait3A_41 = tpu.memref_slice %arg5[%arg0, %mul3A_36, %dma_wait3A] : memref<2x10240x128xf32, #tpu.memory_space<hbm>> -> memref<1x640x128xf32, #tpu.memory_space<hbm>>
      %dma_wait3A_42 = tpu.memref_squeeze %dma_wait3A_41 : memref<1x640x128xf32, #tpu.memory_space<hbm>> -> memref<640x128xf32, #tpu.memory_space<hbm>>
      %dma_wait3A_43 = arith.constant 0 : i32
      %dma_wait3A_44 = tpu.memref_slice %arg9[%mul3A_34, %dma_wait3A_43] : memref<10240x128xf32, #tpu.memory_space<vmem_shared>> -> memref<640x128xf32, #tpu.memory_space<vmem_shared>>
      tpu.wait_dma2 semaphore(%run_scoped3A : memref<!tpu.dma_semaphore, #tpu.memory_space<semaphore_mem>>) src(%dma_wait3A_44 : memref<640x128xf32, #tpu.memory_space<vmem_shared>>) dst(%dma_wait3A_42 : memref<640x128xf32, #tpu.memory_space<hbm>>)
      tpu.yield
    }) : () -> ()
    return
  }
}

module attributes {stable_mosaic.version = 14 : i64} {
  func.func @_tc1_body(%arg0: memref<10000x128xf32, #tpu.memory_space<vmem>>, %arg1: memref<128x128xf32, #tpu.memory_space<vmem>>, %arg2: memref<2x10240xf32, #tpu.memory_space<vmem>>, %arg3: memref<10000x128xf32, #tpu.memory_space<vmem>>) attributes {dimension_semantics = [], scalar_prefetch = 0 : i64, scratch_operands = 0 : i64, tpu.core_type = #tpu.core_type<tc>} {
    %get3A = arith.constant 0 : index
    %get3A_0 = arith.constant 0 : index
    %get3A_1 = vector.load %arg2[%get3A, %get3A_0] : memref<2x10240xf32, #tpu.memory_space<vmem>>, vector<2x10240xf32>
    %slice3A = vector.extract_strided_slice %get3A_1 {offsets = [0, 0], sizes = [1, 10240], strides = [1, 1]} : vector<2x10240xf32> to vector<1x10240xf32>
    %slice3A_2 = vector.extract_strided_slice %get3A_1 {offsets = [1, 0], sizes = [1, 10240], strides = [1, 1]} : vector<2x10240xf32> to vector<1x10240xf32>
    %add3A = arith.addf %slice3A, %slice3A_2 : vector<1x10240xf32>
    %add3A_3 = arith.constant 1.000000e+00 : f32
    %add3A_4 = vector.broadcast %add3A_3 : f32 to vector<1x10240xf32>
    %add3A_5 = arith.addf %add3A, %add3A_4 : vector<1x10240xf32>
    %sqrt3A = math.sqrt %add3A_5 : vector<1x10240xf32>
    %div3A = arith.constant 1.000000e+00 : f32
    %div3A_6 = vector.broadcast %div3A : f32 to vector<1x10240xf32>
    %div3A_7 = arith.divf %div3A_6, %sqrt3A : vector<1x10240xf32>
    %slice3A_8 = vector.extract_strided_slice %div3A_7 {offsets = [0, 0], sizes = [1, 10000], strides = [1, 1]} : vector<1x10240xf32> to vector<1x10000xf32>
    %transpose3A = tpu.transpose %slice3A_8, [1, 0] : vector<1x10000xf32> -> vector<10000x1xf32>
    %get3A_9 = arith.constant 0 : index
    %get3A_10 = arith.constant 0 : index
    %get3A_11 = vector.load %arg0[%get3A_9, %get3A_10] : memref<10000x128xf32, #tpu.memory_space<vmem>>, vector<10000x128xf32>
    %get3A_12 = arith.constant 0 : index
    %get3A_13 = arith.constant 0 : index
    %get3A_14 = vector.load %arg1[%get3A_12, %get3A_13] : memref<128x128xf32, #tpu.memory_space<vmem>>, vector<128x128xf32>
    %convert_element_type3A = arith.truncf %get3A_11 : vector<10000x128xf32> to vector<10000x128xbf16>
    %convert_element_type3A_15 = arith.truncf %get3A_14 : vector<128x128xf32> to vector<128x128xbf16>
    %dot_general3A = arith.constant dense<0.000000e+00> : vector<10000x128xf32>
    %dot_general3A_16 = tpu.matmul %convert_element_type3A, %convert_element_type3A_15, %dot_general3A {dimension_numbers = #tpu.dot_dimension_numbers<[1], [0], [0], [1], [0, 0, 1, 1], [], []>, transpose_lhs_hint = false} : vector<10000x128xbf16>, vector<128x128xbf16>, vector<10000x128xf32> -> vector<10000x128xf32>
    %mul3A = vector.broadcast %transpose3A : vector<10000x1xf32> to vector<10000x128xf32>
    %mul3A_17 = arith.mulf %dot_general3A_16, %mul3A : vector<10000x128xf32>
    %swap3A = arith.constant 0 : index
    %swap3A_18 = arith.constant 0 : index
    %swap3A_19 = vector.load %arg3[%swap3A, %swap3A_18] : memref<10000x128xf32, #tpu.memory_space<vmem>>, vector<10000x128xf32>
    tpu.vector_store %arg3[%swap3A, %swap3A_18], %mul3A_17 {strides = array<i32>} : memref<10000x128xf32, #tpu.memory_space<vmem>>, vector<10000x128xf32>,
    return
  }
}

module attributes {stable_mosaic.version = 14 : i64} {
  func.func @_tc2_body(%arg0: memref<2x10240x128xf32, #tpu.memory_space<vmem>>, %arg1: memref<10000x128xf32, #tpu.memory_space<vmem>>, %arg2: memref<2x10240xf32, #tpu.memory_space<vmem>>, %arg3: memref<128xf32, #tpu.memory_space<vmem>>, %arg4: memref<128xf32, #tpu.memory_space<vmem>>, %arg5: memref<128xf32, #tpu.memory_space<vmem>>, %arg6: memref<128x128xf32, #tpu.memory_space<vmem>>, %arg7: memref<10000x128xf32, #tpu.memory_space<vmem>>) attributes {dimension_semantics = [], scalar_prefetch = 0 : i64, scratch_operands = 0 : i64, tpu.core_type = #tpu.core_type<tc>} {
    %get3A = arith.constant 0 : index
    %get3A_0 = arith.constant 0 : index
    %get3A_1 = vector.load %arg2[%get3A, %get3A_0] : memref<2x10240xf32, #tpu.memory_space<vmem>>, vector<2x10240xf32>
    %slice3A = vector.extract_strided_slice %get3A_1 {offsets = [0, 0], sizes = [1, 10240], strides = [1, 1]} : vector<2x10240xf32> to vector<1x10240xf32>
    %slice3A_2 = vector.extract_strided_slice %get3A_1 {offsets = [1, 0], sizes = [1, 10240], strides = [1, 1]} : vector<2x10240xf32> to vector<1x10240xf32>
    %add3A = arith.addf %slice3A, %slice3A_2 : vector<1x10240xf32>
    %add3A_3 = arith.constant 1.000000e+00 : f32
    %add3A_4 = vector.broadcast %add3A_3 : f32 to vector<1x10240xf32>
    %add3A_5 = arith.addf %add3A, %add3A_4 : vector<1x10240xf32>
    %sqrt3A = math.sqrt %add3A_5 : vector<1x10240xf32>
    %div3A = arith.constant 1.000000e+00 : f32
    %div3A_6 = vector.broadcast %div3A : f32 to vector<1x10240xf32>
    %div3A_7 = arith.divf %div3A_6, %sqrt3A : vector<1x10240xf32>
    %slice3A_8 = vector.extract_strided_slice %div3A_7 {offsets = [0, 0], sizes = [1, 10000], strides = [1, 1]} : vector<1x10240xf32> to vector<1x10000xf32>
    %transpose3A = tpu.transpose %slice3A_8, [1, 0] : vector<1x10000xf32> -> vector<10000x1xf32>
    %get3A_9 = arith.constant 0 : index
    %get3A_10 = arith.constant 0 : index
    %get3A_11 = arith.constant 0 : index
    %get3A_12 = vector.load %arg0[%get3A_9, %get3A_10, %get3A_11] : memref<2x10240x128xf32, #tpu.memory_space<vmem>>, vector<1x10000x128xf32>
    %get3A_13 = vector.shape_cast %get3A_12 : vector<1x10000x128xf32> to vector<10000x128xf32>
    %get3A_14 = arith.constant 1 : index
    %get3A_15 = arith.constant 0 : index
    %get3A_16 = arith.constant 0 : index
    %get3A_17 = vector.load %arg0[%get3A_14, %get3A_15, %get3A_16] : memref<2x10240x128xf32, #tpu.memory_space<vmem>>, vector<1x10000x128xf32>
    %get3A_18 = vector.shape_cast %get3A_17 : vector<1x10000x128xf32> to vector<10000x128xf32>
    %add3A_19 = arith.addf %get3A_13, %get3A_18 : vector<10000x128xf32>
    %get3A_20 = arith.constant 0 : index
    %get3A_21 = arith.constant 0 : index
    %get3A_22 = vector.load %arg1[%get3A_20, %get3A_21] : memref<10000x128xf32, #tpu.memory_space<vmem>>, vector<10000x128xf32>
    %add3A_23 = arith.addf %add3A_19, %get3A_22 : vector<10000x128xf32>
    %mul3A = vector.broadcast %transpose3A : vector<10000x1xf32> to vector<10000x128xf32>
    %mul3A_24 = arith.mulf %add3A_23, %mul3A : vector<10000x128xf32>
    %get3A_25 = arith.constant 0 : index
    %get3A_26 = vector.load %arg3[%get3A_25] : memref<128xf32, #tpu.memory_space<vmem>>, vector<128xf32>
    %broadcast_in_dim3A = vector.shape_cast %get3A_26 : vector<128xf32> to vector<1x128xf32>
    %add3A_27 = vector.broadcast %broadcast_in_dim3A : vector<1x128xf32> to vector<10000x128xf32>
    %add3A_28 = arith.addf %mul3A_24, %add3A_27 : vector<10000x128xf32>
    %get3A_29 = arith.constant 0 : index
    %get3A_30 = vector.load %arg4[%get3A_29] : memref<128xf32, #tpu.memory_space<vmem>>, vector<128xf32>
    %get3A_31 = arith.constant 0 : index
    %get3A_32 = vector.load %arg5[%get3A_31] : memref<128xf32, #tpu.memory_space<vmem>>, vector<128xf32>
    %reduce_sum3A = arith.constant dense<0.000000e+00> : vector<128xf32>
    %reduce_sum3A_33 = vector.multi_reduction <add>, %add3A_28, %reduce_sum3A [0] : vector<10000x128xf32> to vector<128xf32>
    %broadcast_in_dim3A_34 = vector.shape_cast %reduce_sum3A_33 : vector<128xf32> to vector<1x128xf32>
    %div3A_35 = arith.constant 1.000000e+04 : f32
    %div3A_36 = vector.broadcast %div3A_35 : f32 to vector<1x128xf32>
    %div3A_37 = arith.divf %broadcast_in_dim3A_34, %div3A_36 : vector<1x128xf32>
    %sub3A = vector.broadcast %div3A_37 : vector<1x128xf32> to vector<10000x128xf32>
    %sub3A_38 = arith.subf %add3A_28, %sub3A : vector<10000x128xf32>
    %integer_pow3A = arith.mulf %sub3A_38, %sub3A_38 : vector<10000x128xf32>
    %reduce_sum3A_39 = arith.constant dense<0.000000e+00> : vector<128xf32>
    %reduce_sum3A_40 = vector.multi_reduction <add>, %integer_pow3A, %reduce_sum3A_39 [0] : vector<10000x128xf32> to vector<128xf32>
    %broadcast_in_dim3A_41 = vector.shape_cast %reduce_sum3A_40 : vector<128xf32> to vector<1x128xf32>
    %div3A_42 = arith.constant 1.000000e+04 : f32
    %div3A_43 = vector.broadcast %div3A_42 : f32 to vector<1x128xf32>
    %div3A_44 = arith.divf %broadcast_in_dim3A_41, %div3A_43 : vector<1x128xf32>
    %sub3A_45 = vector.broadcast %div3A_37 : vector<1x128xf32> to vector<10000x128xf32>
    %sub3A_46 = arith.subf %add3A_28, %sub3A_45 : vector<10000x128xf32>
    %broadcast_in_dim3A_47 = vector.shape_cast %get3A_30 : vector<128xf32> to vector<1x128xf32>
    %mul3A_48 = vector.broadcast %broadcast_in_dim3A_47 : vector<1x128xf32> to vector<10000x128xf32>
    %mul3A_49 = arith.mulf %mul3A_48, %sub3A_46 : vector<10000x128xf32>
    %add3A_50 = arith.constant 9.99999974E-6 : f32
    %add3A_51 = vector.broadcast %add3A_50 : f32 to vector<1x128xf32>
    %add3A_52 = arith.addf %div3A_44, %add3A_51 : vector<1x128xf32>
    %sqrt3A_53 = math.sqrt %add3A_52 : vector<1x128xf32>
    %div3A_54 = vector.broadcast %sqrt3A_53 : vector<1x128xf32> to vector<10000x128xf32>
    %div3A_55 = arith.divf %mul3A_49, %div3A_54 : vector<10000x128xf32>
    %broadcast_in_dim3A_56 = vector.shape_cast %get3A_32 : vector<128xf32> to vector<1x128xf32>
    %add3A_57 = vector.broadcast %broadcast_in_dim3A_56 : vector<1x128xf32> to vector<10000x128xf32>
    %add3A_58 = arith.addf %div3A_55, %add3A_57 : vector<10000x128xf32>
    %max3A = arith.constant 0.000000e+00 : f32
    %max3A_59 = vector.broadcast %max3A : f32 to vector<10000x128xf32>
    %max3A_60 = arith.maximumf %add3A_58, %max3A_59 : vector<10000x128xf32>
    %get3A_61 = arith.constant 0 : index
    %get3A_62 = arith.constant 0 : index
    %get3A_63 = vector.load %arg6[%get3A_61, %get3A_62] : memref<128x128xf32, #tpu.memory_space<vmem>>, vector<128x128xf32>
    %convert_element_type3A = arith.truncf %max3A_60 : vector<10000x128xf32> to vector<10000x128xbf16>
    %convert_element_type3A_64 = arith.truncf %get3A_63 : vector<128x128xf32> to vector<128x128xbf16>
    %dot_general3A = arith.constant dense<0.000000e+00> : vector<10000x128xf32>
    %dot_general3A_65 = tpu.matmul %convert_element_type3A, %convert_element_type3A_64, %dot_general3A {dimension_numbers = #tpu.dot_dimension_numbers<[1], [0], [0], [1], [0, 0, 1, 1], [], []>, transpose_lhs_hint = false} : vector<10000x128xbf16>, vector<128x128xbf16>, vector<10000x128xf32> -> vector<10000x128xf32>
    %mul3A_66 = vector.broadcast %transpose3A : vector<10000x1xf32> to vector<10000x128xf32>
    %mul3A_67 = arith.mulf %dot_general3A_65, %mul3A_66 : vector<10000x128xf32>
    %swap3A = arith.constant 0 : index
    %swap3A_68 = arith.constant 0 : index
    %swap3A_69 = vector.load %arg7[%swap3A, %swap3A_68] : memref<10000x128xf32, #tpu.memory_space<vmem>>, vector<10000x128xf32>
    tpu.vector_store %arg7[%swap3A, %swap3A_68], %mul3A_67 {strides = array<i32>} : memref<10000x128xf32, #tpu.memory_space<vmem>>, vector<10000x128xf32>,
    return
  }
}

module attributes {stable_mosaic.version = 14 : i64} {
  func.func @_tc3_body(%arg0: memref<2x10240x128xf32, #tpu.memory_space<vmem>>, %arg1: memref<10000x128xf32, #tpu.memory_space<vmem>>, %arg2: memref<2x10240xf32, #tpu.memory_space<vmem>>, %arg3: memref<128xf32, #tpu.memory_space<vmem>>, %arg4: memref<128xf32, #tpu.memory_space<vmem>>, %arg5: memref<128xf32, #tpu.memory_space<vmem>>, %arg6: memref<1x10000xi32, #tpu.memory_space<vmem>>, %arg7: memref<128x256xf32, #tpu.memory_space<vmem>>, %arg8: memref<256xf32, #tpu.memory_space<vmem>>, %arg9: memref<256x256xf32, #tpu.memory_space<vmem>>, %arg10: memref<256xf32, #tpu.memory_space<vmem>>, %arg11: memref<256x1xf32, #tpu.memory_space<vmem>>, %arg12: memref<1xf32, #tpu.memory_space<vmem>>, %arg13: memref<128x1xf32, #tpu.memory_space<vmem>>) attributes {dimension_semantics = [], scalar_prefetch = 0 : i64, scratch_operands = 0 : i64, tpu.core_type = #tpu.core_type<tc>} {
    %get3A = arith.constant 0 : index
    %get3A_0 = arith.constant 0 : index
    %get3A_1 = vector.load %arg2[%get3A, %get3A_0] : memref<2x10240xf32, #tpu.memory_space<vmem>>, vector<2x10240xf32>
    %slice3A = vector.extract_strided_slice %get3A_1 {offsets = [0, 0], sizes = [1, 10240], strides = [1, 1]} : vector<2x10240xf32> to vector<1x10240xf32>
    %slice3A_2 = vector.extract_strided_slice %get3A_1 {offsets = [1, 0], sizes = [1, 10240], strides = [1, 1]} : vector<2x10240xf32> to vector<1x10240xf32>
    %add3A = arith.addf %slice3A, %slice3A_2 : vector<1x10240xf32>
    %add3A_3 = arith.constant 1.000000e+00 : f32
    %add3A_4 = vector.broadcast %add3A_3 : f32 to vector<1x10240xf32>
    %add3A_5 = arith.addf %add3A, %add3A_4 : vector<1x10240xf32>
    %sqrt3A = math.sqrt %add3A_5 : vector<1x10240xf32>
    %div3A = arith.constant 1.000000e+00 : f32
    %div3A_6 = vector.broadcast %div3A : f32 to vector<1x10240xf32>
    %div3A_7 = arith.divf %div3A_6, %sqrt3A : vector<1x10240xf32>
    %slice3A_8 = vector.extract_strided_slice %div3A_7 {offsets = [0, 0], sizes = [1, 10000], strides = [1, 1]} : vector<1x10240xf32> to vector<1x10000xf32>
    %transpose3A = tpu.transpose %slice3A_8, [1, 0] : vector<1x10000xf32> -> vector<10000x1xf32>
    %get3A_9 = arith.constant 0 : index
    %get3A_10 = arith.constant 0 : index
    %get3A_11 = arith.constant 0 : index
    %get3A_12 = vector.load %arg0[%get3A_9, %get3A_10, %get3A_11] : memref<2x10240x128xf32, #tpu.memory_space<vmem>>, vector<1x10000x128xf32>
    %get3A_13 = vector.shape_cast %get3A_12 : vector<1x10000x128xf32> to vector<10000x128xf32>
    %get3A_14 = arith.constant 1 : index
    %get3A_15 = arith.constant 0 : index
    %get3A_16 = arith.constant 0 : index
    %get3A_17 = vector.load %arg0[%get3A_14, %get3A_15, %get3A_16] : memref<2x10240x128xf32, #tpu.memory_space<vmem>>, vector<1x10000x128xf32>
    %get3A_18 = vector.shape_cast %get3A_17 : vector<1x10000x128xf32> to vector<10000x128xf32>
    %add3A_19 = arith.addf %get3A_13, %get3A_18 : vector<10000x128xf32>
    %get3A_20 = arith.constant 0 : index
    %get3A_21 = arith.constant 0 : index
    %get3A_22 = vector.load %arg1[%get3A_20, %get3A_21] : memref<10000x128xf32, #tpu.memory_space<vmem>>, vector<10000x128xf32>
    %add3A_23 = arith.addf %add3A_19, %get3A_22 : vector<10000x128xf32>
    %mul3A = vector.broadcast %transpose3A : vector<10000x1xf32> to vector<10000x128xf32>
    %mul3A_24 = arith.mulf %add3A_23, %mul3A : vector<10000x128xf32>
    %get3A_25 = arith.constant 0 : index
    %get3A_26 = vector.load %arg3[%get3A_25] : memref<128xf32, #tpu.memory_space<vmem>>, vector<128xf32>
    %broadcast_in_dim3A = vector.shape_cast %get3A_26 : vector<128xf32> to vector<1x128xf32>
    %add3A_27 = vector.broadcast %broadcast_in_dim3A : vector<1x128xf32> to vector<10000x128xf32>
    %add3A_28 = arith.addf %mul3A_24, %add3A_27 : vector<10000x128xf32>
    %get3A_29 = arith.constant 0 : index
    %get3A_30 = vector.load %arg4[%get3A_29] : memref<128xf32, #tpu.memory_space<vmem>>, vector<128xf32>
    %get3A_31 = arith.constant 0 : index
    %get3A_32 = vector.load %arg5[%get3A_31] : memref<128xf32, #tpu.memory_space<vmem>>, vector<128xf32>
    %reduce_sum3A = arith.constant dense<0.000000e+00> : vector<128xf32>
    %reduce_sum3A_33 = vector.multi_reduction <add>, %add3A_28, %reduce_sum3A [0] : vector<10000x128xf32> to vector<128xf32>
    %broadcast_in_dim3A_34 = vector.shape_cast %reduce_sum3A_33 : vector<128xf32> to vector<1x128xf32>
    %div3A_35 = arith.constant 1.000000e+04 : f32
    %div3A_36 = vector.broadcast %div3A_35 : f32 to vector<1x128xf32>
    %div3A_37 = arith.divf %broadcast_in_dim3A_34, %div3A_36 : vector<1x128xf32>
    %sub3A = vector.broadcast %div3A_37 : vector<1x128xf32> to vector<10000x128xf32>
    %sub3A_38 = arith.subf %add3A_28, %sub3A : vector<10000x128xf32>
    %integer_pow3A = arith.mulf %sub3A_38, %sub3A_38 : vector<10000x128xf32>
    %reduce_sum3A_39 = arith.constant dense<0.000000e+00> : vector<128xf32>
    %reduce_sum3A_40 = vector.multi_reduction <add>, %integer_pow3A, %reduce_sum3A_39 [0] : vector<10000x128xf32> to vector<128xf32>
    %broadcast_in_dim3A_41 = vector.shape_cast %reduce_sum3A_40 : vector<128xf32> to vector<1x128xf32>
    %div3A_42 = arith.constant 1.000000e+04 : f32
    %div3A_43 = vector.broadcast %div3A_42 : f32 to vector<1x128xf32>
    %div3A_44 = arith.divf %broadcast_in_dim3A_41, %div3A_43 : vector<1x128xf32>
    %sub3A_45 = vector.broadcast %div3A_37 : vector<1x128xf32> to vector<10000x128xf32>
    %sub3A_46 = arith.subf %add3A_28, %sub3A_45 : vector<10000x128xf32>
    %broadcast_in_dim3A_47 = vector.shape_cast %get3A_30 : vector<128xf32> to vector<1x128xf32>
    %mul3A_48 = vector.broadcast %broadcast_in_dim3A_47 : vector<1x128xf32> to vector<10000x128xf32>
    %mul3A_49 = arith.mulf %mul3A_48, %sub3A_46 : vector<10000x128xf32>
    %add3A_50 = arith.constant 9.99999974E-6 : f32
    %add3A_51 = vector.broadcast %add3A_50 : f32 to vector<1x128xf32>
    %add3A_52 = arith.addf %div3A_44, %add3A_51 : vector<1x128xf32>
    %sqrt3A_53 = math.sqrt %add3A_52 : vector<1x128xf32>
    %div3A_54 = vector.broadcast %sqrt3A_53 : vector<1x128xf32> to vector<10000x128xf32>
    %div3A_55 = arith.divf %mul3A_49, %div3A_54 : vector<10000x128xf32>
    %broadcast_in_dim3A_56 = vector.shape_cast %get3A_32 : vector<128xf32> to vector<1x128xf32>
    %add3A_57 = vector.broadcast %broadcast_in_dim3A_56 : vector<1x128xf32> to vector<10000x128xf32>
    %add3A_58 = arith.addf %div3A_55, %add3A_57 : vector<10000x128xf32>
    %max3A = arith.constant 0.000000e+00 : f32
    %max3A_59 = vector.broadcast %max3A : f32 to vector<10000x128xf32>
    %max3A_60 = arith.maximumf %add3A_58, %max3A_59 : vector<10000x128xf32>
    %iota3A = tpu.iota {dimensions = array<i32: 0>} : vector<128x10000xi32>
    %get3A_61 = arith.constant 0 : index
    %get3A_62 = arith.constant 0 : index
    %get3A_63 = vector.load %arg6[%get3A_61, %get3A_62] : memref<1x10000xi32, #tpu.memory_space<vmem>>, vector<1x10000xi32>
    %eq3A = vector.broadcast %get3A_63 : vector<1x10000xi32> to vector<128x10000xi32>
    %eq3A_64 = arith.cmpi eq, %iota3A, %eq3A : vector<128x10000xi32>
    %convert_element_type3A = arith.extui %eq3A_64 : vector<128x10000xi1> to vector<128x10000xi32>
    %convert_element_type3A_65 = arith.sitofp %convert_element_type3A : vector<128x10000xi32> to vector<128x10000xf32>
    %dot_general3A = arith.constant dense<0.000000e+00> : vector<128x128xf32>
    %dot_general3A_66 = tpu.matmul %convert_element_type3A_65, %max3A_60, %dot_general3A {dimension_numbers = #tpu.dot_dimension_numbers<[1], [0], [0], [1], [0, 0, 1, 1], [], []>, precision = #tpu.contract_precision<fp32>, transpose_lhs_hint = false} : vector<128x10000xf32>, vector<10000x128xf32>, vector<128x128xf32> -> vector<128x128xf32>
    %get3A_67 = arith.constant 0 : index
    %get3A_68 = arith.constant 0 : index
    %get3A_69 = vector.load %arg7[%get3A_67, %get3A_68] : memref<128x256xf32, #tpu.memory_space<vmem>>, vector<128x256xf32>
    %convert_element_type3A_70 = arith.truncf %dot_general3A_66 : vector<128x128xf32> to vector<128x128xbf16>
    %convert_element_type3A_71 = arith.truncf %get3A_69 : vector<128x256xf32> to vector<128x256xbf16>
    %dot_general3A_72 = arith.constant dense<0.000000e+00> : vector<128x256xf32>
    %dot_general3A_73 = tpu.matmul %convert_element_type3A_70, %convert_element_type3A_71, %dot_general3A_72 {dimension_numbers = #tpu.dot_dimension_numbers<[1], [0], [0], [1], [0, 0, 1, 1], [], []>, transpose_lhs_hint = false} : vector<128x128xbf16>, vector<128x256xbf16>, vector<128x256xf32> -> vector<128x256xf32>
    %get3A_74 = arith.constant 0 : index
    %get3A_75 = vector.load %arg8[%get3A_74] : memref<256xf32, #tpu.memory_space<vmem>>, vector<256xf32>
    %broadcast_in_dim3A_76 = vector.shape_cast %get3A_75 : vector<256xf32> to vector<1x256xf32>
    %add3A_77 = vector.broadcast %broadcast_in_dim3A_76 : vector<1x256xf32> to vector<128x256xf32>
    %add3A_78 = arith.addf %dot_general3A_73, %add3A_77 : vector<128x256xf32>
    %max3A_79 = arith.constant 0.000000e+00 : f32
    %max3A_80 = vector.broadcast %max3A_79 : f32 to vector<128x256xf32>
    %max3A_81 = arith.maximumf %add3A_78, %max3A_80 : vector<128x256xf32>
    %get3A_82 = arith.constant 0 : index
    %get3A_83 = arith.constant 0 : index
    %get3A_84 = vector.load %arg9[%get3A_82, %get3A_83] : memref<256x256xf32, #tpu.memory_space<vmem>>, vector<256x256xf32>
    %convert_element_type3A_85 = arith.truncf %max3A_81 : vector<128x256xf32> to vector<128x256xbf16>
    %convert_element_type3A_86 = arith.truncf %get3A_84 : vector<256x256xf32> to vector<256x256xbf16>
    %dot_general3A_87 = arith.constant dense<0.000000e+00> : vector<128x256xf32>
    %dot_general3A_88 = tpu.matmul %convert_element_type3A_85, %convert_element_type3A_86, %dot_general3A_87 {dimension_numbers = #tpu.dot_dimension_numbers<[1], [0], [0], [1], [0, 0, 1, 1], [], []>, transpose_lhs_hint = false} : vector<128x256xbf16>, vector<256x256xbf16>, vector<128x256xf32> -> vector<128x256xf32>
    %get3A_89 = arith.constant 0 : index
    %get3A_90 = vector.load %arg10[%get3A_89] : memref<256xf32, #tpu.memory_space<vmem>>, vector<256xf32>
    %broadcast_in_dim3A_91 = vector.shape_cast %get3A_90 : vector<256xf32> to vector<1x256xf32>
    %add3A_92 = vector.broadcast %broadcast_in_dim3A_91 : vector<1x256xf32> to vector<128x256xf32>
    %add3A_93 = arith.addf %dot_general3A_88, %add3A_92 : vector<128x256xf32>
    %max3A_94 = arith.constant 0.000000e+00 : f32
    %max3A_95 = vector.broadcast %max3A_94 : f32 to vector<128x256xf32>
    %max3A_96 = arith.maximumf %add3A_93, %max3A_95 : vector<128x256xf32>
    %get3A_97 = arith.constant 0 : index
    %get3A_98 = arith.constant 0 : index
    %get3A_99 = vector.load %arg11[%get3A_97, %get3A_98] : memref<256x1xf32, #tpu.memory_space<vmem>>, vector<256x1xf32>
    %convert_element_type3A_100 = arith.truncf %max3A_96 : vector<128x256xf32> to vector<128x256xbf16>
    %convert_element_type3A_101 = arith.truncf %get3A_99 : vector<256x1xf32> to vector<256x1xbf16>
    %dot_general3A_102 = arith.constant dense<0.000000e+00> : vector<128x1xf32>
    %dot_general3A_103 = tpu.matmul %convert_element_type3A_100, %convert_element_type3A_101, %dot_general3A_102 {dimension_numbers = #tpu.dot_dimension_numbers<[1], [0], [0], [1], [0, 0, 1, 1], [], []>, transpose_lhs_hint = false} : vector<128x256xbf16>, vector<256x1xbf16>, vector<128x1xf32> -> vector<128x1xf32>
    %get3A_104 = arith.constant 0 : index
    %get3A_105 = vector.load %arg12[%get3A_104] : memref<1xf32, #tpu.memory_space<vmem>>, vector<1xf32>
    %broadcast_in_dim3A_106 = vector.shape_cast %get3A_105 : vector<1xf32> to vector<1x1xf32>
    %add3A_107 = vector.broadcast %broadcast_in_dim3A_106 : vector<1x1xf32> to vector<128x1xf32>
    %add3A_108 = arith.addf %dot_general3A_103, %add3A_107 : vector<128x1xf32>
    %swap3A = arith.constant 0 : index
    %swap3A_109 = arith.constant 0 : index
    %swap3A_110 = vector.load %arg13[%swap3A, %swap3A_109] : memref<128x1xf32, #tpu.memory_space<vmem>>, vector<128x1xf32>
    tpu.vector_store %arg13[%swap3A, %swap3A_109], %add3A_108 {strides = array<i32>} : memref<128x1xf32, #tpu.memory_space<vmem>>, vector<128x1xf32>,
    return
  }
}

</mosaic_0001>

<sc_bundles>
// kernel: kernel.11.cloned.1.call-start
scs
__scs_entry_jumppad:
0x0: {  	(pc) =	sbr.rel $0x88, $3  }
0x1: {  	(tag) =	ssettag $0x0;
	lr =	simm.s32 $0x1  }
0x2: {  	[smem:$0x3F90] =	sst lr;
	_ =	strace $0xD0000000  }
0x3: {  	_ = 	snop  }
0x4: {  	_ = 	snop  }
0x5: {  	_ = 	snop  }
0x6: {  	_ = 	snop  }
0x7: {  	_ = 	snop  }
__scs_overlays_trampoline_lowered:
0x8: {  	[smem:$0x3F9F] =	sst s0  }
0x9: {  	[smem:$0x3FA0] =	sst s1  }
0xa: {  	[smem:$0x3FA1] =	sst s2  }
0xb: {  	[smem:$0x3FA2] =	sst s3  }
0xc: {  	[smem:$0x3FA3] =	sst s4  }
0xd: {  	[smem:$0x3FA4] =	sst s5  }
0xe: {  	[smem:$0x3FA5] =	sst s6  }
0xf: {  	[smem:$0x3FA6] =	sst s7  }
0x10: {  	[smem:$0x3FA7] =	sst s8  }
0x11: {  	[smem:$0x3FA8] =	sst s9;
	s0 =	simm.s32 @!p0 $0x0  }
0x12: {  	s1 =	sld [smem:$0x3F8E];
	s0 =	simm.s32 @p0 $0x1  }
0x13: {  	[smem:$0x3FA9] =	sst s0;
	s0 =	simm.s32 @!p1 $0x0  }
0x14: {  	s2 =	sld [smem:$0x3F8D];
	s0 =	simm.s32 @p1 $0x1  }
0x15: {  	[smem:$0x3FAA] =	sst s0;
	s0 =	simm.s32 @!p2 $0x0  }
0x16: {  	s3 =	sld [smem:$0x3FDB];
	s0 =	simm.s32 @p2 $0x1  }
0x17: {  	s4 =	simm.s32 $0x1BF5;
	[smem:$0x3FAC] =	sst s0  }
0x18: {  	s0 =	sld [smem:$0x3F8F];
	_ =	swait.ge [sflag:s4], $0x0  }
0x19: {  	s7 =	sld [smem:$0x3F90]  }
0x1a: {  	s8 =	sadd.s32 $0xFFFFE003, lr  }
0x1b: {  	s9 =	sadd.s32 $0xFFFFFEF7, lr;
	s5 =	simm.s32 $0xFFFFFFFF;
	p2 =	slt.u32 s8, $0xFFFFF086  }
0x1c: {  	p1 =	slt.u32 s9, $0xF7A;
	s5 =	simm.s32 @!p2 $0x0  }
0x1d: {  	s5 =	simm.s32 @p1 $0x1;
	p0 =	seq.s32 s7, s2  }
0x1e: {  	s7 =	smul.u32 @!p0 $0xF7A, s2;
	p2 =	seq.s32 @!p0 s5, $0x0  }
0x1f: {  	s9 =	smul.u32 $0xF7A, s1;
	s8 =	simm.s32 @!p0 $0x1BF5;
	p2 =	por !p2, p0  }
0x20: {  	[sflag:s8] =	ssyncset.s32 @!p0 $0xFFFFF086;
	s6 =	sadd.s32 @!p0 s3, s7;
	s7 =	simm.s32 @!p0 $0x108  }
0x21: {  	s3 =	sadd.s32 s3, s9;
	s6 =	sadd.s32 @!p0 $0x88, s6;
	s7 =	simm.s32 @p2 $0x1082  }
0x22: {  	[simem:s7], [sflag:s8] =	dma.local @!p0 [hbm:s6], $0xF7A  }
0x23: {  	s9 =	sor.u32 $0xD0000000, s2;
	s6 =	simm.s32 $0x108;
	_ =	swait.ge @!p0 [sflag:s8], $0x0  }
0x24: {  	s3 =	sadd.s32 $0x88, s3;
	s6 =	simm.s32 @!p1 $0x1082;
	[sflag:s4] =	ssyncset.s32 $0xFFFFF086  }
0x25: {  	[simem:s6], [sflag:s4] =	dma.local [hbm:s3], $0xF7A  }
0x26: {  	[smem:$0x3F90] =	sst s1;
	(tag) =	ssettag s2;
	_ =	strace s9  }
0x27: {  	s1 =	sld [smem:$0x3FA0]  }
0x28: {  	s2 =	sld [smem:$0x3FA1]  }
0x29: {  	s4 =	sld [smem:$0x3FA3]  }
0x2a: {  	p0 =	seq.s32 s5, $0x0;
	s5 =	sld [smem:$0x3FA4]  }
0x2b: {  	s6 =	sld [smem:$0x3FA5]  }
0x2c: {  	s7 =	sld [smem:$0x3FA6]  }
0x2d: {  	s3 =	simm.s32 $0x108;
	s8 =	sld [smem:$0x3FA7]  }
0x2e: {  	s3 =	simm.s32 @!p0 $0x1082;
	s9 =	sld [smem:$0x3FA8]  }
0x2f: {  	lr =	sadd.s32 s0, s3;
	s0 =	sld [smem:$0x3F9F]  }
0x30: {  	s3 =	sld [smem:$0x3FA2]  }
0x31: {  	[smem:$0x3FAB] =	sst s10  }
0x32: {  	s10 =	sld [smem:$0x3FA9];
	_ =	sdelay $0x3  }
0x33: {  	p0 =	seq.s32 s10, $0x1;
	s10 =	sld [smem:$0x3FAB];
	_ =	sdelay $0x3  }
0x34: {  	[smem:$0x3FAB] =	sst s10  }
0x35: {  	s10 =	sld [smem:$0x3FAA];
	_ =	sdelay $0x3  }
0x36: {  	p1 =	seq.s32 s10, $0x1;
	s10 =	sld [smem:$0x3FAB];
	_ =	sdelay $0x3  }
0x37: {  	[smem:$0x3FAB] =	sst s10  }
0x38: {  	s10 =	sld [smem:$0x3FAC]  }
0x39: {  	_ = 	snop;
	(pc) =	sbr.ind lr, $3  }
0x3a: {  	_ = 	snop  }
0x3b: {  	_ = 	snop  }
0x3c: {  	p2 =	seq.s32 s10, $0x1;
	s10 =	sld [smem:$0x3FAB]  }
0x3d: {  	_ =	shalt  }
0x3e: {  	_ =	shalt  }
0x3f: {  	_ =	shalt  }
0x40: {  	_ =	shalt  }
0x41: {  	_ =	shalt  }
0x42: {  	_ =	shalt  }
0x43: {  	_ =	shalt  }
0x44: {  	_ =	shalt  }
0x45: {  	_ =	shalt  }
0x46: {  	_ =	shalt  }
0x47: {  	_ =	shalt  }
0x48: {  	_ =	shalt  }
0x49: {  	_ =	shalt  }
0x4a: {  	_ =	shalt  }
0x4b: {  	_ =	shalt  }
0x4c: {  	_ =	shalt  }
0x4d: {  	_ =	shalt  }
0x4e: {  	_ =	shalt  }
0x4f: {  	_ =	shalt  }
0x50: {  	_ =	shalt  }
0x51: {  	_ =	shalt  }
0x52: {  	_ =	shalt  }
0x53: {  	_ =	shalt  }
0x54: {  	_ =	shalt  }
0x55: {  	_ =	shalt  }
0x56: {  	_ =	shalt  }
0x57: {  	_ =	shalt  }
0x58: {  	_ =	shalt  }
0x59: {  	_ =	shalt  }
0x5a: {  	_ =	shalt  }
0x5b: {  	_ =	shalt  }
0x5c: {  	_ =	shalt  }
0x5d: {  	_ =	shalt  }
0x5e: {  	_ =	shalt  }
0x5f: {  	_ =	shalt  }
0x60: {  	_ =	shalt  }
0x61: {  	_ =	shalt  }
0x62: {  	_ =	shalt  }
0x63: {  	_ =	shalt  }
0x64: {  	_ =	shalt  }
0x65: {  	_ =	shalt  }
0x66: {  	_ =	shalt  }
0x67: {  	_ =	shalt  }
0x68: {  	_ =	shalt  }
0x69: {  	_ =	shalt  }
0x6a: {  	_ =	shalt  }
0x6b: {  	_ =	shalt  }
0x6c: {  	_ =	shalt  }
0x6d: {  	_ =	shalt  }
0x6e: {  	_ =	shalt  }
0x6f: {  	_ =	shalt  }
0x70: {  	_ =	shalt  }
0x71: {  	_ =	shalt  }
0x72: {  	_ =	shalt  }
0x73: {  	_ =	shalt  }
0x74: {  	_ =	shalt  }
0x75: {  	_ =	shalt  }
0x76: {  	_ =	shalt  }
0x77: {  	_ =	shalt  }
0x78: {  	_ =	shalt  }
0x79: {  	_ =	shalt  }
0x7a: {  	_ =	shalt  }
0x7b: {  	_ =	shalt  }
0x7c: {  	_ =	shalt  }
0x7d: {  	_ =	shalt  }
0x7e: {  	_ =	shalt  }
0x7f: {  	_ =	shalt  }
0x80: {  	_ =	shalt  }
0x81: {  	_ =	shalt  }
0x82: {  	_ =	shalt  }
0x83: {  	_ =	shalt  }
0x84: {  	_ =	shalt  }
0x85: {  	_ =	shalt  }
0x86: {  	_ =	shalt  }
0x87: {  	_ =	shalt  }
.Lfunc_end0:
.L_simem_size_0:
called_computation.1_lowered:
.L_overlay_start_0:
0x88: {  	s2 =	sld [smem:$0x3FD9]  }
0x89: {  	s3 =	sld [smem:$0x3FFE];
	_ =	sdelay $0x1  }
0x8a: {  	s1 =	srdreg.scid  }
0x8b: {  	s0 =	sand.u32 $0x1, s1  }
0x8c: {  	s16 =	sshll.u32 s0, $0xA;
	s2 =	sadd.s32 s3, s2  }
0x8d: {  	s2 =	sadd.s32 s2, s16  }
0x8e: {  	[smem:$0x3FB7] =	sst s2  }
0x8f: {  	_ = 	snop  }
0x90: {  	(tm) =	ssettm $0x1  }
0x91: {  	s17 =	sld [smem:$0x3FFB];
	_ =	sdelay $0x3  }
0x92: {  	_ =	strace s17  }
0x93: {  	s2 =	sld [smem:$0x3FFC];
	_ =	sdelay $0x3  }
0x94: {  	_ =	strace s2  }
0x95: {  	s2 =	sld [smem:$0x3FFD];
	_ =	sdelay $0x3  }
0x96: {  	_ =	strace s2  }
0x97: {  	_ =	strace $0x8FFFFFFF  }
0x98: {  	s18 =	sld [smem:$0x3FDB];
	_ =	sdelay $0x1  }
0x99: {  	s19 =	simm.s32 $_scs_section_size  }
0x9a: {  	s4 =	simm.s32 $_size__tile_overlayer_lowered;
	s5 =	simm.s32 $_tile_overlayer_lowered  }
0x9b: {  	s22 =	simm.s32 $0x1BFF;
	s21 =	sshll.u32 s5, $0x1;
	s2 =	sadd.s32 s19, s18  }
0x9c: {  	s6 =	simm.s32 $0x0;
	s20 =	sshll.u32 s4, $0x1;
	s4 =	sadd.s32 s21, s2  }
0x9d: {  	[timem:s6], [sflag:s22] =	dma.local [hbm:s4], s20  }
0x9e: {  	_ =	swait.ge [sflag:s22], s20  }
0x9f: {  	s3 =	ssub.s32 $0x0, s20;
	[sflag:s22] =	ssyncset.done $0x0  }
0xa0: {  	[sflag:s22] =	ssyncadd.s32 s3;
	_ =	sdelay $0x1  }
0xa1: {  	s23 =	simm.s32 $0x1B8B  }
0xa2: {  	_ =	swait.ge [sflag:s23], $0x1  }
0xa3: {  	[sflag:s23] =	ssyncset.done $0x0  }
0xa4: {  	s25 =	simm.s32 $0x1B8E;
	s24 =	sld [smem:$0x3FFE];
	[sflag:s23] =	ssyncadd.s32 $0xFFFFFFFF  }
0xa5: {  	s26 =	simm.s32 $execute0_lowered;
	[smem:$0x3FD2] =	sst s25  }
0xa6: {  	s4 =	sshll.u32 s26, $0x1;
	_ =	strace $0x80000049;
	[dreg:$0x1] =	wrdreg $0xFFFFFFFF  }
0xa7: {  	s28 =	simm.s32 $_size_execute0_lowered;
	s2 =	sadd.s32 s2, s4;
	[dreg:$0x0] =	wrdreg $0x0  }
0xa8: {  	s4 =	sshll.u32 s28, $0x1;
	[dreg:$0x2] =	wrdreg s2  }
0xa9: {  	[dreg:$0x3] =	wrdreg s4  }
0xaa: {  	[dreg:$0x4] =	wrdreg $0xC0  }
0xab: {  	_ =	task [dreg:s6], $0x5FFFF  }
0xac: {  	[dreg:$0x1] =	wrdreg $0xFFFFFFFF  }
0xad: {  	[dreg:$0x0] =	wrdreg $0x60  }
0xae: {  	[dreg:$0x2] =	wrdreg s24  }
0xaf: {  	[dreg:$0x3] =	wrdreg $0x90000  }
0xb0: {  	[dreg:$0x4] =	wrdreg $0x9  }
0xb1: {  	_ =	task.clear_ibuf [dreg:s6], $0x5FFFF;
	_ =	strace $0x90000049  }
0xb2: {  	s29 =	simm.s32 $0x9;
	_ =	strace $0x8000004B  }
0xb3: {  	_ =	swait.ge [sflag:s29], $0x1  }
0xb4: {  	[sflag:s29] =	ssyncadd.s32 $0xFFFFFFFF  }
0xb5: {  	_ =	strace $0x9000004B  }
0xb6: {  	_ =	sfence  }
0xb7: {  	s30 =	sld [smem:$0x0];
	_ =	sdelay $0x2  }
0xb8: {  	s31 =	sshll.u32 s1, $0xD;
	s1 =	sshrl.u32 s1, $0x2  }
0xb9: {  	s3 =	sand.u32 $0x4000, s31;
	s1 =	sadd.s32 s1, s30  }
0xba: {  	s0 =	sor.u32 s3, s0;
	s1 =	sshll.u32 s1, $0x11  }
0xbb: {  	s0 =	sor.u32 s1, s0  }
0xbc: {  	s0 =	sadd.s32 $0x8F2B, s0  }
0xbd: {  	[sflag:s0] =	ssyncadd.remote.s32 $0x1  }
0xbe: {  	_ =	sfence.sel $0xFFFF  }
0xbf: {  	[dreg:$0x0] =	wrdreg $0xFFFFFFFF;
	(pc) =	sbr.abs _section_cstart, $3  }
0xc0: {  	[dreg:$0x1] =	wrdreg $0xFFFFFFFF  }
0xc1: {  	_ =	task.clear_ibuf [dreg:s6], $0x2FFFF;
	_ =	strace $0x9FFFFFFF  }
0xc2: {  	(tm) =	ssettm $0x7FFFFFFF  }
0xc3: {  	_ =	shalt  }
tec
execute0_lowered:
.L_overlay_start_1:
0x0: {  	(tag) =	ssettag $0x1  }
0x1: {  	s1 =	srdreg.scid;
	s6 =	rddreg [dreg:$0x0]  }
0x2: {  	s0 =	stileid.u32;
	s2 =	rddreg [dreg:$0x1];
	s3 =	simm.s32 $0x0  }
0x3: {  	s14 =	simm.s32 $0x5000;
	s15 =	simm.s32 $0x2;
	s16 =	simm.s32 $0x2800  }
0x4: {  	s17 =	simm.s32 $0x80;
	s18 =	simm.s32 $0x1;
	s5 =	sand.u32 $0x1, s1  }
0x5: {  	s26 =	sshll.u32 s0, $0x1;
	s9 =	smul.u32 $0x14000, s0;
	[smem:$0x7FF] =	sst s3  }
0x6: {  	s10 =	smul.u32 $0x50000, s0;
	s4 =	sadd.s32 $0x17E00, s6;
	s19 =	sshll.u32 s0, $0x6  }
0x7: {  	s1 =	sor.u32 s5, s26;
	s8 =	smul.u32 $0x140000, s5;
	s29 =	ssub.s32 $0x2, s5  }
0x8: {  	s19 =	sor.u32 $0x1C02, s19;
	s7 =	smul.u32 $0x500, s1;
	s1 =	rddreg [dreg:$0x2]  }
0x9: {  	_ =	strace $0x8000004A;
	s30 =	sshrl.u32 s10, $0x2;
	s31 =	sshrl.u32 s29, $0x1  }
0xa: {  	s28 =	sadd.s32 s9, s8;
	s5 =	sadd.s32 s30, s2;
	s13 =	ssub.s32 s29, s31  }
0xb: {  	s11 =	sadd.s32 s7, s6;
	s7 =	sshrl.u32 s28, $0x3;
	s8 =	sadd.s32 $0xC000, s5  }
0xc: {  	s9 =	sadd.s32 $0x10000, s5;
	s13 =	smax.u32 s13, $0x1;
	s20 =	sshrl.u32 s5, $0x3  }
0xd: {  	s12 =	sadd.s32 s7, s6;
	s6 =	sadd.s32 $0x4000, s5;
	s7 =	sadd.s32 $0x8000, s5  }
0xe: {  	v0 =	vimm.f32 $0.0e+00;
	s10 =	sadd.s32 $0xDE00, s11;
	s11 =	sadd.s32 $0x3400, s11;
	s12 =	sadd.s32 $0x3F000, s12  }
.LBB2_1:
0xf: {  	s21 =	simm.s32 $0x0;
	s22 =	simm.s32 $0x200  }
.LBB2_2:
0x10: {  	p0 =	sne.s32 s22, $0xFE00;
	[tilespmem:s21+$0x5070] =	vst v0  }
0x11: {  	[tilespmem:s21+$0x5000] =	vst v0  }
0x12: {  	[tilespmem:s21+$0x5010] =	vst v0  }
.Ltmp0:
0x13: {  	[tilespmem:s21+$0x5020] =	vst v0;
	(pc) =	sbr.rel @p0 .LBB2_2-.Ltmp0, $4  }
0x14: {  	[tilespmem:s21+$0x5030] =	vst v0  }
0x15: {  	[tilespmem:s21+$0x5040] =	vst v0  }
0x16: {  	[tilespmem:s21+$0x5050] =	vst v0  }
0x17: {  	[tilespmem:s21+$0x5060] =	vst v0;
	s21 =	sshra.s32 s22, $0x2;
	s22 =	sadd.s32 $0x200, s22  }
0x18: {  	[tilespmem:s21+$0x5070] =	vst v0  }
0x19: {  	[tilespmem:s21+$0x5000] =	vst v0  }
0x1a: {  	[tilespmem:s21+$0x5010] =	vst v0  }
0x1b: {  	[tilespmem:s21+$0x5020] =	vst v0  }
0x1c: {  	[tilespmem:s21+$0x5030] =	vst v0  }
0x1d: {  	[tilespmem:s21+$0x5040] =	vst v0  }
0x1e: {  	[tilespmem:s21+$0x5050] =	vst v0  }
0x1f: {  	[tilespmem:s21+$0x5060] =	vst v0  }
0x20: {  	[spmem:s5] =	stream.linear.scatter [tilespmem:s14], [sflag:$0x2], $0x4000, $0x38;
	[tilespmem:$0x1D000] =	vst v63  }
0x21: {  	_ =	swait.ge [sflag:s15], $0x4000  }
0x22: {  	[sflag:s15] =	ssyncset.done $0x0  }
0x23: {  	[sflag:s15] =	ssyncadd.s32 $0xFFFFC000  }
0x24: {  	[spmem:s6] =	stream.linear.scatter [tilespmem:s14], [sflag:$0x2], $0x4000, $0x38;
	[tilespmem:$0x1D000] =	vst v63  }
0x25: {  	_ =	swait.ge [sflag:s15], $0x4000  }
0x26: {  	[sflag:s15] =	ssyncset.done $0x0  }
0x27: {  	[sflag:s15] =	ssyncadd.s32 $0xFFFFC000  }
0x28: {  	[spmem:s7] =	stream.linear.scatter [tilespmem:s14], [sflag:$0x2], $0x4000, $0x38;
	[tilespmem:$0x1D000] =	vst v63  }
0x29: {  	_ =	swait.ge [sflag:s15], $0x4000  }
0x2a: {  	[sflag:s15] =	ssyncset.done $0x0  }
0x2b: {  	[sflag:s15] =	ssyncadd.s32 $0xFFFFC000  }
0x2c: {  	[spmem:s8] =	stream.linear.scatter [tilespmem:s14], [sflag:$0x2], $0x4000, $0x38;
	[tilespmem:$0x1D000] =	vst v63  }
0x2d: {  	_ =	swait.ge [sflag:s15], $0x4000  }
0x2e: {  	[sflag:s15] =	ssyncset.done $0x0  }
0x2f: {  	[sflag:s15] =	ssyncadd.s32 $0xFFFFC000  }
0x30: {  	[spmem:s9] =	stream.linear.scatter [tilespmem:s14], [sflag:$0x2], $0x4000, $0x38;
	[tilespmem:$0x1D000] =	vst v63  }
0x31: {  	_ =	swait.ge [sflag:s15], $0x4000  }
0x32: {  	[sflag:s15] =	ssyncset.done $0x0  }
0x33: {  	s29 =	simm.s32 $0x0;
	[sflag:s15] =	ssyncadd.s32 $0xFFFFC000  }
0x34: {  	[tilespmem:s29], [sflag:$0x2] =	stream.linear.gather [hbm4b:s10+s29], $0x2780, $0x38;
	[tilespmem:$0x1D000] =	vst v63  }
0x35: {  	_ =	swait.ge [sflag:s15], $0x2780  }
0x36: {  	[sflag:s15] =	ssyncset.done $0x0  }
0x37: {  	[sflag:s15] =	ssyncadd.s32 $0xFFFFD880  }
0x38: {  	[tilespmem:s16], [sflag:$0x2] =	stream.linear.gather [hbm4b:s11+s29], $0x2780, $0x38;
	[tilespmem:$0x1D000] =	vst v63  }
0x39: {  	_ =	swait.ge [sflag:s15], $0x2780  }
0x3a: {  	[sflag:s15] =	ssyncset.done $0x0  }
0x3b: {  	[sflag:s15] =	ssyncadd.s32 $0xFFFFD880  }
0x3c: {  	s30 =	simm.s32 $0x0;
	[bflag:$0x0] =	sbarrier.arrive $0xFFFF  }
0x3d: {  	[tilespmem:s14], [sflag:$0x1] =	stream.indirect.gather [hbm4b:s4+s17], $0x80, s30, s17, $0xb8;
	[tilespmem:$0x1D000] =	vst v63  }
0x3e: {  	_ =	swait.ge [sflag:s18], $0x4000  }
0x3f: {  	[sflag:s18] =	ssyncset.done $0x0  }
0x40: {  	s31 =	simm.s32 $0x2800;
	[sflag:s18] =	ssyncadd.s32 $0xFFFFC000  }
0x41: {  	[spmem:s2] =	stream.indirect.scatter.add.f32 [tilespmem:s14], [sflag:$0x2], $0x80, s31, s17, $0xb8;
	[tilespmem:$0x1D000] =	vst v63  }
0x42: {  	_ =	swait.ge [sflag:s15], $0x4000  }
0x43: {  	s21 =	simm.s32 $0x200;
	s22 =	simm.s32 $0x400;
	[sflag:s15] =	ssyncset.done $0x0  }
.LBB2_4:
0x44: {  	s23 =	sshra.s32 s21, $0x2  }
0x45: {  	[sflag:s15] =	ssyncadd.s32 $0xFFFFC000;
	s21 =	smov.u32 s22;
	s24 =	sadd.s32 $0x200, s22  }
0x46: {  	[tilespmem:s14], [sflag:$0x1] =	stream.indirect.gather [hbm4b:s4+s17], $0x80, s23, s17, $0xb8;
	[tilespmem:$0x1D000] =	vst v63  }
0x47: {  	p0 =	sne.s32 s22, $0x9C00;
	_ =	swait.ge [sflag:s18], $0x4000  }
.Ltmp1:
0x48: {  	[sflag:s18] =	ssyncset.done $0x0;
	(pc) =	sbr.rel @p0 .LBB2_4-.Ltmp1, $4  }
0x49: {  	s22 =	sadd.s32 $0x2800, s23;
	[sflag:s18] =	ssyncadd.s32 $0xFFFFC000  }
0x4a: {  	[spmem:s2] =	stream.indirect.scatter.add.f32 [tilespmem:s14], [sflag:$0x2], $0x80, s22, s17, $0xb8;
	[tilespmem:$0x1D000] =	vst v63  }
0x4b: {  	_ =	swait.ge [sflag:s15], $0x4000  }
0x4c: {  	s22 =	smov.u32 s24;
	[sflag:s15] =	ssyncset.done $0x0  }
0x4d: {  	s21 =	sshra.s32 s21, $0x2;
	[sflag:s15] =	ssyncadd.s32 $0xFFFFC000  }
0x4e: {  	[tilespmem:s14], [sflag:$0x1] =	stream.indirect.gather [hbm4b:s4+s17], $0x80, s21, s17, $0xb8;
	[tilespmem:$0x1D000] =	vst v63  }
0x4f: {  	_ =	swait.ge [sflag:s18], $0x4000  }
0x50: {  	[sflag:s18] =	ssyncset.done $0x0  }
0x51: {  	s21 =	sadd.s32 $0x2800, s21;
	[sflag:s18] =	ssyncadd.s32 $0xFFFFC000  }
0x52: {  	[spmem:s2] =	stream.indirect.scatter.add.f32 [tilespmem:s14], [sflag:$0x2], $0x80, s21, s17, $0xb8;
	[tilespmem:$0x1D000] =	vst v63  }
0x53: {  	_ =	swait.ge [sflag:s15], $0x4000  }
0x54: {  	s3 =	sadd.s32 $0x1, s3;
	[sflag:s15] =	ssyncset.done $0x0  }
0x55: {  	p0 =	sne.s32 s3, s13;
	[sflag:s15] =	ssyncadd.s32 $0xFFFFC000  }
.Ltmp2:
0x56: {  	[bflag:$0x0] =	sbarrier.arrive $0xFFFF;
	(pc) =	sbr.rel @p0 .LBB2_1-.Ltmp2, $4  }
0x57: {  	[hbm:s12], [sflag:s19] =	dma.local [spmem:s20], $0x2800  }
0x58: {  	_ =	swait.ge [sflag:s15], $0x2800  }
0x59: {  	[sflag:s15] =	ssyncset.done $0x0  }
0x5a: {  	[sflag:s15] =	ssyncadd.s32 $0xFFFFD800  }
0x5b: {  	_ =	sfence.sel $0x180000  }
0x5c: {  	[bflag:$0x0] =	sbarrier.arrive $0xFFFF  }
0x5d: {  	p0 =	sne.s32 s0, $0x0;
	_ =	strace $0x9000004A  }
0x5e: {  	s0 =	sadd.s32 @!p0 $0x100000, s1;
	[bflag:$0x2] =	sbarrier.arrive $0xFFFF  }
0x5f: {  	[sflag:s0] =	ssyncadd.tile.s32 @!p0 $0x1;
	_ =	shalt  }
.Lfunc_end2:
_tile_overlayer_lowered:
.L_overlay_start_2:
0x60: {  	(tag) =	ssettag $0x2  }
0x61: {  	s0 =	rddreg [dreg:$0x0];
	s2 =	stileid.u32  }
0x62: {  	s1 =	rddreg [dreg:$0x1];
	p0 =	sne.s32 s2, $0x0  }
0x63: {  	s3 =	rddreg [dreg:$0x2];
	[bflag:$0x3] =	sbarrier.arrive $0xFFFF;
	s2 =	simm.s32 @!p0 $0x1C02  }
0x64: {  	[timem:s3], [sflag:s2] =	dma.local @!p0 [hbm:s0], s1  }
0x65: {  	s0 =	simm.s32 @!p0 $0x2  }
0x66: {  	_ =	swait.ge @!p0 [sflag:s0], s1  }
0x67: {  	s1 =	ssub.s32 @!p0 $0x0, s1;
	[sflag:s0] =	ssyncset.done @!p0 $0x0  }
0x68: {  	[sflag:s0] =	ssyncadd.s32 @!p0 s1  }
0x69: {  	[bflag:$0x3] =	sbarrier.arrive $0xFFFF  }
0x6a: {  	_ =	shalt  }

// kernel: kernel.14.cloned.1.call-start
scs
__scs_entry_jumppad:
0x0: {  	(pc) =	sbr.rel $0x88, $3  }
0x1: {  	(tag) =	ssettag $0x0;
	lr =	simm.s32 $0x1  }
0x2: {  	[smem:$0x3F90] =	sst lr;
	_ =	strace $0xD0000000  }
0x3: {  	_ = 	snop  }
0x4: {  	_ = 	snop  }
0x5: {  	_ = 	snop  }
0x6: {  	_ = 	snop  }
0x7: {  	_ = 	snop  }
__scs_overlays_trampoline_lowered:
0x8: {  	[smem:$0x3F9F] =	sst s0  }
0x9: {  	[smem:$0x3FA0] =	sst s1  }
0xa: {  	[smem:$0x3FA1] =	sst s2  }
0xb: {  	[smem:$0x3FA2] =	sst s3  }
0xc: {  	[smem:$0x3FA3] =	sst s4  }
0xd: {  	[smem:$0x3FA4] =	sst s5  }
0xe: {  	[smem:$0x3FA5] =	sst s6  }
0xf: {  	[smem:$0x3FA6] =	sst s7  }
0x10: {  	[smem:$0x3FA7] =	sst s8  }
0x11: {  	[smem:$0x3FA8] =	sst s9;
	s0 =	simm.s32 @!p0 $0x0  }
0x12: {  	s1 =	sld [smem:$0x3F8E];
	s0 =	simm.s32 @p0 $0x1  }
0x13: {  	[smem:$0x3FA9] =	sst s0;
	s0 =	simm.s32 @!p1 $0x0  }
0x14: {  	s2 =	sld [smem:$0x3F8D];
	s0 =	simm.s32 @p1 $0x1  }
0x15: {  	[smem:$0x3FAA] =	sst s0;
	s0 =	simm.s32 @!p2 $0x0  }
0x16: {  	s3 =	sld [smem:$0x3FDB];
	s0 =	simm.s32 @p2 $0x1  }
0x17: {  	s4 =	simm.s32 $0x1BF5;
	[smem:$0x3FAC] =	sst s0  }
0x18: {  	s0 =	sld [smem:$0x3F8F];
	_ =	swait.ge [sflag:s4], $0x0  }
0x19: {  	s7 =	sld [smem:$0x3F90]  }
0x1a: {  	s8 =	sadd.s32 $0xFFFFE003, lr  }
0x1b: {  	s9 =	sadd.s32 $0xFFFFFEF7, lr;
	s5 =	simm.s32 $0xFFFFFFFF;
	p2 =	slt.u32 s8, $0xFFFFF086  }
0x1c: {  	p1 =	slt.u32 s9, $0xF7A;
	s5 =	simm.s32 @!p2 $0x0  }
0x1d: {  	s5 =	simm.s32 @p1 $0x1;
	p0 =	seq.s32 s7, s2  }
0x1e: {  	s7 =	smul.u32 @!p0 $0xF7A, s2;
	p2 =	seq.s32 @!p0 s5, $0x0  }
0x1f: {  	s9 =	smul.u32 $0xF7A, s1;
	s8 =	simm.s32 @!p0 $0x1BF5;
	p2 =	por !p2, p0  }
0x20: {  	[sflag:s8] =	ssyncset.s32 @!p0 $0xFFFFF086;
	s6 =	sadd.s32 @!p0 s3, s7;
	s7 =	simm.s32 @!p0 $0x108  }
0x21: {  	s3 =	sadd.s32 s3, s9;
	s6 =	sadd.s32 @!p0 $0x88, s6;
	s7 =	simm.s32 @p2 $0x1082  }
0x22: {  	[simem:s7], [sflag:s8] =	dma.local @!p0 [hbm:s6], $0xF7A  }
0x23: {  	s9 =	sor.u32 $0xD0000000, s2;
	s6 =	simm.s32 $0x108;
	_ =	swait.ge @!p0 [sflag:s8], $0x0  }
0x24: {  	s3 =	sadd.s32 $0x88, s3;
	s6 =	simm.s32 @!p1 $0x1082;
	[sflag:s4] =	ssyncset.s32 $0xFFFFF086  }
0x25: {  	[simem:s6], [sflag:s4] =	dma.local [hbm:s3], $0xF7A  }
0x26: {  	[smem:$0x3F90] =	sst s1;
	(tag) =	ssettag s2;
	_ =	strace s9  }
0x27: {  	s1 =	sld [smem:$0x3FA0]  }
0x28: {  	s2 =	sld [smem:$0x3FA1]  }
0x29: {  	s4 =	sld [smem:$0x3FA3]  }
0x2a: {  	p0 =	seq.s32 s5, $0x0;
	s5 =	sld [smem:$0x3FA4]  }
0x2b: {  	s6 =	sld [smem:$0x3FA5]  }
0x2c: {  	s7 =	sld [smem:$0x3FA6]  }
0x2d: {  	s3 =	simm.s32 $0x108;
	s8 =	sld [smem:$0x3FA7]  }
0x2e: {  	s3 =	simm.s32 @!p0 $0x1082;
	s9 =	sld [smem:$0x3FA8]  }
0x2f: {  	lr =	sadd.s32 s0, s3;
	s0 =	sld [smem:$0x3F9F]  }
0x30: {  	s3 =	sld [smem:$0x3FA2]  }
0x31: {  	[smem:$0x3FAB] =	sst s10  }
0x32: {  	s10 =	sld [smem:$0x3FA9];
	_ =	sdelay $0x3  }
0x33: {  	p0 =	seq.s32 s10, $0x1;
	s10 =	sld [smem:$0x3FAB];
	_ =	sdelay $0x3  }
0x34: {  	[smem:$0x3FAB] =	sst s10  }
0x35: {  	s10 =	sld [smem:$0x3FAA];
	_ =	sdelay $0x3  }
0x36: {  	p1 =	seq.s32 s10, $0x1;
	s10 =	sld [smem:$0x3FAB];
	_ =	sdelay $0x3  }
0x37: {  	[smem:$0x3FAB] =	sst s10  }
0x38: {  	s10 =	sld [smem:$0x3FAC]  }
0x39: {  	_ = 	snop;
	(pc) =	sbr.ind lr, $3  }
0x3a: {  	_ = 	snop  }
0x3b: {  	_ = 	snop  }
0x3c: {  	p2 =	seq.s32 s10, $0x1;
	s10 =	sld [smem:$0x3FAB]  }
0x3d: {  	_ =	shalt  }
0x3e: {  	_ =	shalt  }
0x3f: {  	_ =	shalt  }
0x40: {  	_ =	shalt  }
0x41: {  	_ =	shalt  }
0x42: {  	_ =	shalt  }
0x43: {  	_ =	shalt  }
0x44: {  	_ =	shalt  }
0x45: {  	_ =	shalt  }
0x46: {  	_ =	shalt  }
0x47: {  	_ =	shalt  }
0x48: {  	_ =	shalt  }
0x49: {  	_ =	shalt  }
0x4a: {  	_ =	shalt  }
0x4b: {  	_ =	shalt  }
0x4c: {  	_ =	shalt  }
0x4d: {  	_ =	shalt  }
0x4e: {  	_ =	shalt  }
0x4f: {  	_ =	shalt  }
0x50: {  	_ =	shalt  }
0x51: {  	_ =	shalt  }
0x52: {  	_ =	shalt  }
0x53: {  	_ =	shalt  }
0x54: {  	_ =	shalt  }
0x55: {  	_ =	shalt  }
0x56: {  	_ =	shalt  }
0x57: {  	_ =	shalt  }
0x58: {  	_ =	shalt  }
0x59: {  	_ =	shalt  }
0x5a: {  	_ =	shalt  }
0x5b: {  	_ =	shalt  }
0x5c: {  	_ =	shalt  }
0x5d: {  	_ =	shalt  }
0x5e: {  	_ =	shalt  }
0x5f: {  	_ =	shalt  }
0x60: {  	_ =	shalt  }
0x61: {  	_ =	shalt  }
0x62: {  	_ =	shalt  }
0x63: {  	_ =	shalt  }
0x64: {  	_ =	shalt  }
0x65: {  	_ =	shalt  }
0x66: {  	_ =	shalt  }
0x67: {  	_ =	shalt  }
0x68: {  	_ =	shalt  }
0x69: {  	_ =	shalt  }
0x6a: {  	_ =	shalt  }
0x6b: {  	_ =	shalt  }
0x6c: {  	_ =	shalt  }
0x6d: {  	_ =	shalt  }
0x6e: {  	_ =	shalt  }
0x6f: {  	_ =	shalt  }
0x70: {  	_ =	shalt  }
0x71: {  	_ =	shalt  }
0x72: {  	_ =	shalt  }
0x73: {  	_ =	shalt  }
0x74: {  	_ =	shalt  }
0x75: {  	_ =	shalt  }
0x76: {  	_ =	shalt  }
0x77: {  	_ =	shalt  }
0x78: {  	_ =	shalt  }
0x79: {  	_ =	shalt  }
0x7a: {  	_ =	shalt  }
0x7b: {  	_ =	shalt  }
0x7c: {  	_ =	shalt  }
0x7d: {  	_ =	shalt  }
0x7e: {  	_ =	shalt  }
0x7f: {  	_ =	shalt  }
0x80: {  	_ =	shalt  }
0x81: {  	_ =	shalt  }
0x82: {  	_ =	shalt  }
0x83: {  	_ =	shalt  }
0x84: {  	_ =	shalt  }
0x85: {  	_ =	shalt  }
0x86: {  	_ =	shalt  }
0x87: {  	_ =	shalt  }
.Lfunc_end0:
.L_simem_size_0:
called_computation.2_lowered:
.L_overlay_start_0:
0x88: {  	s2 =	sld [smem:$0x3FD9]  }
0x89: {  	s3 =	sld [smem:$0x3FFE];
	_ =	sdelay $0x1  }
0x8a: {  	s1 =	srdreg.scid  }
0x8b: {  	s0 =	sand.u32 $0x1, s1  }
0x8c: {  	s16 =	sshll.u32 s0, $0xA;
	s2 =	sadd.s32 s3, s2  }
0x8d: {  	s2 =	sadd.s32 s2, s16  }
0x8e: {  	[smem:$0x3FB7] =	sst s2  }
0x8f: {  	_ = 	snop  }
0x90: {  	(tm) =	ssettm $0x1  }
0x91: {  	s17 =	sld [smem:$0x3FFB];
	_ =	sdelay $0x3  }
0x92: {  	_ =	strace s17  }
0x93: {  	s2 =	sld [smem:$0x3FFC];
	_ =	sdelay $0x3  }
0x94: {  	_ =	strace s2  }
0x95: {  	s2 =	sld [smem:$0x3FFD];
	_ =	sdelay $0x3  }
0x96: {  	_ =	strace s2  }
0x97: {  	_ =	strace $0x8FFFFFFF  }
0x98: {  	s18 =	sld [smem:$0x3FDB];
	_ =	sdelay $0x1  }
0x99: {  	s19 =	simm.s32 $_scs_section_size  }
0x9a: {  	s4 =	simm.s32 $_size__tile_overlayer_lowered;
	s5 =	simm.s32 $_tile_overlayer_lowered  }
0x9b: {  	s22 =	simm.s32 $0x1BFF;
	s21 =	sshll.u32 s5, $0x1;
	s2 =	sadd.s32 s19, s18  }
0x9c: {  	s6 =	simm.s32 $0x0;
	s20 =	sshll.u32 s4, $0x1;
	s4 =	sadd.s32 s21, s2  }
0x9d: {  	[timem:s6], [sflag:s22] =	dma.local [hbm:s4], s20  }
0x9e: {  	_ =	swait.ge [sflag:s22], s20  }
0x9f: {  	s3 =	ssub.s32 $0x0, s20;
	[sflag:s22] =	ssyncset.done $0x0  }
0xa0: {  	[sflag:s22] =	ssyncadd.s32 s3;
	_ =	sdelay $0x1  }
0xa1: {  	s23 =	simm.s32 $0x1B8B  }
0xa2: {  	_ =	swait.ge [sflag:s23], $0x1  }
0xa3: {  	[sflag:s23] =	ssyncset.done $0x0  }
0xa4: {  	s25 =	simm.s32 $0x1B8E;
	s24 =	sld [smem:$0x3FFE];
	[sflag:s23] =	ssyncadd.s32 $0xFFFFFFFF  }
0xa5: {  	s26 =	simm.s32 $execute0_lowered;
	[smem:$0x3FD2] =	sst s25  }
0xa6: {  	s4 =	sshll.u32 s26, $0x1;
	_ =	strace $0x8000004C;
	[dreg:$0x1] =	wrdreg $0xFFFFFFFF  }
0xa7: {  	s28 =	simm.s32 $_size_execute0_lowered;
	s2 =	sadd.s32 s2, s4;
	[dreg:$0x0] =	wrdreg $0x0  }
0xa8: {  	s4 =	sshll.u32 s28, $0x1;
	[dreg:$0x2] =	wrdreg s2  }
0xa9: {  	[dreg:$0x3] =	wrdreg s4  }
0xaa: {  	[dreg:$0x4] =	wrdreg $0xC0  }
0xab: {  	_ =	task [dreg:s6], $0x5FFFF  }
0xac: {  	[dreg:$0x1] =	wrdreg $0xFFFFFFFF  }
0xad: {  	[dreg:$0x0] =	wrdreg $0x60  }
0xae: {  	[dreg:$0x2] =	wrdreg s24  }
0xaf: {  	[dreg:$0x3] =	wrdreg $0x90000  }
0xb0: {  	[dreg:$0x4] =	wrdreg $0x9  }
0xb1: {  	_ =	task.clear_ibuf [dreg:s6], $0x5FFFF;
	_ =	strace $0x9000004C  }
0xb2: {  	s29 =	simm.s32 $0x9;
	_ =	strace $0x8000004E  }
0xb3: {  	_ =	swait.ge [sflag:s29], $0x1  }
0xb4: {  	[sflag:s29] =	ssyncadd.s32 $0xFFFFFFFF  }
0xb5: {  	_ =	strace $0x9000004E  }
0xb6: {  	_ =	sfence  }
0xb7: {  	s30 =	sld [smem:$0x0];
	_ =	sdelay $0x2  }
0xb8: {  	s31 =	sshll.u32 s1, $0xD;
	s1 =	sshrl.u32 s1, $0x2  }
0xb9: {  	s3 =	sand.u32 $0x4000, s31;
	s1 =	sadd.s32 s1, s30  }
0xba: {  	s0 =	sor.u32 s3, s0;
	s1 =	sshll.u32 s1, $0x11  }
0xbb: {  	s0 =	sor.u32 s1, s0  }
0xbc: {  	s0 =	sadd.s32 $0x8F2B, s0  }
0xbd: {  	[sflag:s0] =	ssyncadd.remote.s32 $0x1  }
0xbe: {  	_ =	sfence.sel $0xFFFF  }
0xbf: {  	[dreg:$0x0] =	wrdreg $0xFFFFFFFF;
	(pc) =	sbr.abs _section_cstart, $3  }
0xc0: {  	[dreg:$0x1] =	wrdreg $0xFFFFFFFF  }
0xc1: {  	_ =	task.clear_ibuf [dreg:s6], $0x2FFFF;
	_ =	strace $0x9FFFFFFF  }
0xc2: {  	(tm) =	ssettm $0x7FFFFFFF  }
0xc3: {  	_ =	shalt  }
tec
execute0_lowered:
.L_overlay_start_1:
0x0: {  	(tag) =	ssettag $0x1  }
0x1: {  	s1 =	srdreg.scid;
	s6 =	rddreg [dreg:$0x0]  }
0x2: {  	s0 =	stileid.u32;
	s2 =	rddreg [dreg:$0x1];
	s3 =	simm.s32 $0x0  }
0x3: {  	s14 =	simm.s32 $0x5000;
	s15 =	simm.s32 $0x2;
	s16 =	simm.s32 $0x2800  }
0x4: {  	s17 =	simm.s32 $0x80;
	s18 =	simm.s32 $0x1;
	s5 =	sand.u32 $0x1, s1  }
0x5: {  	s26 =	sshll.u32 s0, $0x1;
	s9 =	smul.u32 $0x14000, s0;
	[smem:$0x7FF] =	sst s3  }
0x6: {  	s10 =	smul.u32 $0x50000, s0;
	s4 =	sadd.s32 $0x17E00, s6;
	s19 =	sshll.u32 s0, $0x6  }
0x7: {  	s1 =	sor.u32 s5, s26;
	s8 =	smul.u32 $0x140000, s5;
	s29 =	ssub.s32 $0x2, s5  }
0x8: {  	s19 =	sor.u32 $0x1C02, s19;
	s7 =	smul.u32 $0x500, s1;
	s1 =	rddreg [dreg:$0x2]  }
0x9: {  	_ =	strace $0x8000004D;
	s30 =	sshrl.u32 s10, $0x2;
	s31 =	sshrl.u32 s29, $0x1  }
0xa: {  	s28 =	sadd.s32 s9, s8;
	s5 =	sadd.s32 s30, s2;
	s13 =	ssub.s32 s29, s31  }
0xb: {  	s11 =	sadd.s32 s7, s6;
	s7 =	sshrl.u32 s28, $0x3;
	s8 =	sadd.s32 $0xC000, s5  }
0xc: {  	s9 =	sadd.s32 $0x10000, s5;
	s13 =	smax.u32 s13, $0x1;
	s20 =	sshrl.u32 s5, $0x3  }
0xd: {  	s12 =	sadd.s32 s7, s6;
	s6 =	sadd.s32 $0x4000, s5;
	s7 =	sadd.s32 $0x8000, s5  }
0xe: {  	v0 =	vimm.f32 $0.0e+00;
	s10 =	sadd.s32 $0xDE00, s11;
	s11 =	sadd.s32 $0x3400, s11;
	s12 =	sadd.s32 $0x3F000, s12  }
.LBB2_1:
0xf: {  	s21 =	simm.s32 $0x0;
	s22 =	simm.s32 $0x200  }
.LBB2_2:
0x10: {  	p0 =	sne.s32 s22, $0xFE00;
	[tilespmem:s21+$0x5070] =	vst v0  }
0x11: {  	[tilespmem:s21+$0x5000] =	vst v0  }
0x12: {  	[tilespmem:s21+$0x5010] =	vst v0  }
.Ltmp0:
0x13: {  	[tilespmem:s21+$0x5020] =	vst v0;
	(pc) =	sbr.rel @p0 .LBB2_2-.Ltmp0, $4  }
0x14: {  	[tilespmem:s21+$0x5030] =	vst v0  }
0x15: {  	[tilespmem:s21+$0x5040] =	vst v0  }
0x16: {  	[tilespmem:s21+$0x5050] =	vst v0  }
0x17: {  	[tilespmem:s21+$0x5060] =	vst v0;
	s21 =	sshra.s32 s22, $0x2;
	s22 =	sadd.s32 $0x200, s22  }
0x18: {  	[tilespmem:s21+$0x5070] =	vst v0  }
0x19: {  	[tilespmem:s21+$0x5000] =	vst v0  }
0x1a: {  	[tilespmem:s21+$0x5010] =	vst v0  }
0x1b: {  	[tilespmem:s21+$0x5020] =	vst v0  }
0x1c: {  	[tilespmem:s21+$0x5030] =	vst v0  }
0x1d: {  	[tilespmem:s21+$0x5040] =	vst v0  }
0x1e: {  	[tilespmem:s21+$0x5050] =	vst v0  }
0x1f: {  	[tilespmem:s21+$0x5060] =	vst v0  }
0x20: {  	[spmem:s5] =	stream.linear.scatter [tilespmem:s14], [sflag:$0x2], $0x4000, $0x38;
	[tilespmem:$0x1D000] =	vst v63  }
0x21: {  	_ =	swait.ge [sflag:s15], $0x4000  }
0x22: {  	[sflag:s15] =	ssyncset.done $0x0  }
0x23: {  	[sflag:s15] =	ssyncadd.s32 $0xFFFFC000  }
0x24: {  	[spmem:s6] =	stream.linear.scatter [tilespmem:s14], [sflag:$0x2], $0x4000, $0x38;
	[tilespmem:$0x1D000] =	vst v63  }
0x25: {  	_ =	swait.ge [sflag:s15], $0x4000  }
0x26: {  	[sflag:s15] =	ssyncset.done $0x0  }
0x27: {  	[sflag:s15] =	ssyncadd.s32 $0xFFFFC000  }
0x28: {  	[spmem:s7] =	stream.linear.scatter [tilespmem:s14], [sflag:$0x2], $0x4000, $0x38;
	[tilespmem:$0x1D000] =	vst v63  }
0x29: {  	_ =	swait.ge [sflag:s15], $0x4000  }
0x2a: {  	[sflag:s15] =	ssyncset.done $0x0  }
0x2b: {  	[sflag:s15] =	ssyncadd.s32 $0xFFFFC000  }
0x2c: {  	[spmem:s8] =	stream.linear.scatter [tilespmem:s14], [sflag:$0x2], $0x4000, $0x38;
	[tilespmem:$0x1D000] =	vst v63  }
0x2d: {  	_ =	swait.ge [sflag:s15], $0x4000  }
0x2e: {  	[sflag:s15] =	ssyncset.done $0x0  }
0x2f: {  	[sflag:s15] =	ssyncadd.s32 $0xFFFFC000  }
0x30: {  	[spmem:s9] =	stream.linear.scatter [tilespmem:s14], [sflag:$0x2], $0x4000, $0x38;
	[tilespmem:$0x1D000] =	vst v63  }
0x31: {  	_ =	swait.ge [sflag:s15], $0x4000  }
0x32: {  	[sflag:s15] =	ssyncset.done $0x0  }
0x33: {  	s29 =	simm.s32 $0x0;
	[sflag:s15] =	ssyncadd.s32 $0xFFFFC000  }
0x34: {  	[tilespmem:s29], [sflag:$0x2] =	stream.linear.gather [hbm4b:s10+s29], $0x2780, $0x38;
	[tilespmem:$0x1D000] =	vst v63  }
0x35: {  	_ =	swait.ge [sflag:s15], $0x2780  }
0x36: {  	[sflag:s15] =	ssyncset.done $0x0  }
0x37: {  	[sflag:s15] =	ssyncadd.s32 $0xFFFFD880  }
0x38: {  	[tilespmem:s16], [sflag:$0x2] =	stream.linear.gather [hbm4b:s11+s29], $0x2780, $0x38;
	[tilespmem:$0x1D000] =	vst v63  }
0x39: {  	_ =	swait.ge [sflag:s15], $0x2780  }
0x3a: {  	[sflag:s15] =	ssyncset.done $0x0  }
0x3b: {  	[sflag:s15] =	ssyncadd.s32 $0xFFFFD880  }
0x3c: {  	s30 =	simm.s32 $0x0;
	[bflag:$0x0] =	sbarrier.arrive $0xFFFF  }
0x3d: {  	[tilespmem:s14], [sflag:$0x1] =	stream.indirect.gather [hbm4b:s4+s17], $0x80, s30, s17, $0xb8;
	[tilespmem:$0x1D000] =	vst v63  }
0x3e: {  	_ =	swait.ge [sflag:s18], $0x4000  }
0x3f: {  	[sflag:s18] =	ssyncset.done $0x0  }
0x40: {  	s31 =	simm.s32 $0x2800;
	[sflag:s18] =	ssyncadd.s32 $0xFFFFC000  }
0x41: {  	[spmem:s2] =	stream.indirect.scatter.add.f32 [tilespmem:s14], [sflag:$0x2], $0x80, s31, s17, $0xb8;
	[tilespmem:$0x1D000] =	vst v63  }
0x42: {  	_ =	swait.ge [sflag:s15], $0x4000  }
0x43: {  	s21 =	simm.s32 $0x200;
	s22 =	simm.s32 $0x400;
	[sflag:s15] =	ssyncset.done $0x0  }
.LBB2_4:
0x44: {  	s23 =	sshra.s32 s21, $0x2  }
0x45: {  	[sflag:s15] =	ssyncadd.s32 $0xFFFFC000;
	s21 =	smov.u32 s22;
	s24 =	sadd.s32 $0x200, s22  }
0x46: {  	[tilespmem:s14], [sflag:$0x1] =	stream.indirect.gather [hbm4b:s4+s17], $0x80, s23, s17, $0xb8;
	[tilespmem:$0x1D000] =	vst v63  }
0x47: {  	p0 =	sne.s32 s22, $0x9C00;
	_ =	swait.ge [sflag:s18], $0x4000  }
.Ltmp1:
0x48: {  	[sflag:s18] =	ssyncset.done $0x0;
	(pc) =	sbr.rel @p0 .LBB2_4-.Ltmp1, $4  }
0x49: {  	s22 =	sadd.s32 $0x2800, s23;
	[sflag:s18] =	ssyncadd.s32 $0xFFFFC000  }
0x4a: {  	[spmem:s2] =	stream.indirect.scatter.add.f32 [tilespmem:s14], [sflag:$0x2], $0x80, s22, s17, $0xb8;
	[tilespmem:$0x1D000] =	vst v63  }
0x4b: {  	_ =	swait.ge [sflag:s15], $0x4000  }
0x4c: {  	s22 =	smov.u32 s24;
	[sflag:s15] =	ssyncset.done $0x0  }
0x4d: {  	s21 =	sshra.s32 s21, $0x2;
	[sflag:s15] =	ssyncadd.s32 $0xFFFFC000  }
0x4e: {  	[tilespmem:s14], [sflag:$0x1] =	stream.indirect.gather [hbm4b:s4+s17], $0x80, s21, s17, $0xb8;
	[tilespmem:$0x1D000] =	vst v63  }
0x4f: {  	_ =	swait.ge [sflag:s18], $0x4000  }
0x50: {  	[sflag:s18] =	ssyncset.done $0x0  }
0x51: {  	s21 =	sadd.s32 $0x2800, s21;
	[sflag:s18] =	ssyncadd.s32 $0xFFFFC000  }
0x52: {  	[spmem:s2] =	stream.indirect.scatter.add.f32 [tilespmem:s14], [sflag:$0x2], $0x80, s21, s17, $0xb8;
	[tilespmem:$0x1D000] =	vst v63  }
0x53: {  	_ =	swait.ge [sflag:s15], $0x4000  }
0x54: {  	s3 =	sadd.s32 $0x1, s3;
	[sflag:s15] =	ssyncset.done $0x0  }
0x55: {  	p0 =	sne.s32 s3, s13;
	[sflag:s15] =	ssyncadd.s32 $0xFFFFC000  }
.Ltmp2:
0x56: {  	[bflag:$0x0] =	sbarrier.arrive $0xFFFF;
	(pc) =	sbr.rel @p0 .LBB2_1-.Ltmp2, $4  }
0x57: {  	[hbm:s12], [sflag:s19] =	dma.local [spmem:s20], $0x2800  }
0x58: {  	_ =	swait.ge [sflag:s15], $0x2800  }
0x59: {  	[sflag:s15] =	ssyncset.done $0x0  }
0x5a: {  	[sflag:s15] =	ssyncadd.s32 $0xFFFFD800  }
0x5b: {  	_ =	sfence.sel $0x180000  }
0x5c: {  	[bflag:$0x0] =	sbarrier.arrive $0xFFFF  }
0x5d: {  	p0 =	sne.s32 s0, $0x0;
	_ =	strace $0x9000004D  }
0x5e: {  	s0 =	sadd.s32 @!p0 $0x100000, s1;
	[bflag:$0x2] =	sbarrier.arrive $0xFFFF  }
0x5f: {  	[sflag:s0] =	ssyncadd.tile.s32 @!p0 $0x1;
	_ =	shalt  }
.Lfunc_end2:
_tile_overlayer_lowered:
.L_overlay_start_2:
0x60: {  	(tag) =	ssettag $0x2  }
0x61: {  	s0 =	rddreg [dreg:$0x0];
	s2 =	stileid.u32  }
0x62: {  	s1 =	rddreg [dreg:$0x1];
	p0 =	sne.s32 s2, $0x0  }
0x63: {  	s3 =	rddreg [dreg:$0x2];
	[bflag:$0x3] =	sbarrier.arrive $0xFFFF;
	s2 =	simm.s32 @!p0 $0x1C02  }
0x64: {  	[timem:s3], [sflag:s2] =	dma.local @!p0 [hbm:s0], s1  }
0x65: {  	s0 =	simm.s32 @!p0 $0x2  }
0x66: {  	_ =	swait.ge @!p0 [sflag:s0], s1  }
0x67: {  	s1 =	ssub.s32 @!p0 $0x0, s1;
	[sflag:s0] =	ssyncset.done @!p0 $0x0  }
0x68: {  	[sflag:s0] =	ssyncadd.s32 @!p0 s1  }
0x69: {  	[bflag:$0x3] =	sbarrier.arrive $0xFFFF  }
0x6a: {  	_ =	shalt  }

// kernel: kernel.8.cloned.1.call-start
scs
__scs_entry_jumppad:
0x0: {  	(pc) =	sbr.rel $0x88, $3  }
0x1: {  	(tag) =	ssettag $0x0;
	lr =	simm.s32 $0x1  }
0x2: {  	[smem:$0x3F90] =	sst lr;
	_ =	strace $0xD0000000  }
0x3: {  	_ = 	snop  }
0x4: {  	_ = 	snop  }
0x5: {  	_ = 	snop  }
0x6: {  	_ = 	snop  }
0x7: {  	_ = 	snop  }
__scs_overlays_trampoline_lowered:
0x8: {  	[smem:$0x3F9F] =	sst s0  }
0x9: {  	[smem:$0x3FA0] =	sst s1  }
0xa: {  	[smem:$0x3FA1] =	sst s2  }
0xb: {  	[smem:$0x3FA2] =	sst s3  }
0xc: {  	[smem:$0x3FA3] =	sst s4  }
0xd: {  	[smem:$0x3FA4] =	sst s5  }
0xe: {  	[smem:$0x3FA5] =	sst s6  }
0xf: {  	[smem:$0x3FA6] =	sst s7  }
0x10: {  	[smem:$0x3FA7] =	sst s8  }
0x11: {  	[smem:$0x3FA8] =	sst s9;
	s0 =	simm.s32 @!p0 $0x0  }
0x12: {  	s1 =	sld [smem:$0x3F8E];
	s0 =	simm.s32 @p0 $0x1  }
0x13: {  	[smem:$0x3FA9] =	sst s0;
	s0 =	simm.s32 @!p1 $0x0  }
0x14: {  	s2 =	sld [smem:$0x3F8D];
	s0 =	simm.s32 @p1 $0x1  }
0x15: {  	[smem:$0x3FAA] =	sst s0;
	s0 =	simm.s32 @!p2 $0x0  }
0x16: {  	s3 =	sld [smem:$0x3FDB];
	s0 =	simm.s32 @p2 $0x1  }
0x17: {  	s4 =	simm.s32 $0x1BF5;
	[smem:$0x3FAC] =	sst s0  }
0x18: {  	s0 =	sld [smem:$0x3F8F];
	_ =	swait.ge [sflag:s4], $0x0  }
0x19: {  	s7 =	sld [smem:$0x3F90]  }
0x1a: {  	s8 =	sadd.s32 $0xFFFFE003, lr  }
0x1b: {  	s9 =	sadd.s32 $0xFFFFFEF7, lr;
	s5 =	simm.s32 $0xFFFFFFFF;
	p2 =	slt.u32 s8, $0xFFFFF086  }
0x1c: {  	p1 =	slt.u32 s9, $0xF7A;
	s5 =	simm.s32 @!p2 $0x0  }
0x1d: {  	s5 =	simm.s32 @p1 $0x1;
	p0 =	seq.s32 s7, s2  }
0x1e: {  	s7 =	smul.u32 @!p0 $0xF7A, s2;
	p2 =	seq.s32 @!p0 s5, $0x0  }
0x1f: {  	s9 =	smul.u32 $0xF7A, s1;
	s8 =	simm.s32 @!p0 $0x1BF5;
	p2 =	por !p2, p0  }
0x20: {  	[sflag:s8] =	ssyncset.s32 @!p0 $0xFFFFF086;
	s6 =	sadd.s32 @!p0 s3, s7;
	s7 =	simm.s32 @!p0 $0x108  }
0x21: {  	s3 =	sadd.s32 s3, s9;
	s6 =	sadd.s32 @!p0 $0x88, s6;
	s7 =	simm.s32 @p2 $0x1082  }
0x22: {  	[simem:s7], [sflag:s8] =	dma.local @!p0 [hbm:s6], $0xF7A  }
0x23: {  	s9 =	sor.u32 $0xD0000000, s2;
	s6 =	simm.s32 $0x108;
	_ =	swait.ge @!p0 [sflag:s8], $0x0  }
0x24: {  	s3 =	sadd.s32 $0x88, s3;
	s6 =	simm.s32 @!p1 $0x1082;
	[sflag:s4] =	ssyncset.s32 $0xFFFFF086  }
0x25: {  	[simem:s6], [sflag:s4] =	dma.local [hbm:s3], $0xF7A  }
0x26: {  	[smem:$0x3F90] =	sst s1;
	(tag) =	ssettag s2;
	_ =	strace s9  }
0x27: {  	s1 =	sld [smem:$0x3FA0]  }
0x28: {  	s2 =	sld [smem:$0x3FA1]  }
0x29: {  	s4 =	sld [smem:$0x3FA3]  }
0x2a: {  	p0 =	seq.s32 s5, $0x0;
	s5 =	sld [smem:$0x3FA4]  }
0x2b: {  	s6 =	sld [smem:$0x3FA5]  }
0x2c: {  	s7 =	sld [smem:$0x3FA6]  }
0x2d: {  	s3 =	simm.s32 $0x108;
	s8 =	sld [smem:$0x3FA7]  }
0x2e: {  	s3 =	simm.s32 @!p0 $0x1082;
	s9 =	sld [smem:$0x3FA8]  }
0x2f: {  	lr =	sadd.s32 s0, s3;
	s0 =	sld [smem:$0x3F9F]  }
0x30: {  	s3 =	sld [smem:$0x3FA2]  }
0x31: {  	[smem:$0x3FAB] =	sst s10  }
0x32: {  	s10 =	sld [smem:$0x3FA9];
	_ =	sdelay $0x3  }
0x33: {  	p0 =	seq.s32 s10, $0x1;
	s10 =	sld [smem:$0x3FAB];
	_ =	sdelay $0x3  }
0x34: {  	[smem:$0x3FAB] =	sst s10  }
0x35: {  	s10 =	sld [smem:$0x3FAA];
	_ =	sdelay $0x3  }
0x36: {  	p1 =	seq.s32 s10, $0x1;
	s10 =	sld [smem:$0x3FAB];
	_ =	sdelay $0x3  }
0x37: {  	[smem:$0x3FAB] =	sst s10  }
0x38: {  	s10 =	sld [smem:$0x3FAC]  }
0x39: {  	_ = 	snop;
	(pc) =	sbr.ind lr, $3  }
0x3a: {  	_ = 	snop  }
0x3b: {  	_ = 	snop  }
0x3c: {  	p2 =	seq.s32 s10, $0x1;
	s10 =	sld [smem:$0x3FAB]  }
0x3d: {  	_ =	shalt  }
0x3e: {  	_ =	shalt  }
0x3f: {  	_ =	shalt  }
0x40: {  	_ =	shalt  }
0x41: {  	_ =	shalt  }
0x42: {  	_ =	shalt  }
0x43: {  	_ =	shalt  }
0x44: {  	_ =	shalt  }
0x45: {  	_ =	shalt  }
0x46: {  	_ =	shalt  }
0x47: {  	_ =	shalt  }
0x48: {  	_ =	shalt  }
0x49: {  	_ =	shalt  }
0x4a: {  	_ =	shalt  }
0x4b: {  	_ =	shalt  }
0x4c: {  	_ =	shalt  }
0x4d: {  	_ =	shalt  }
0x4e: {  	_ =	shalt  }
0x4f: {  	_ =	shalt  }
0x50: {  	_ =	shalt  }
0x51: {  	_ =	shalt  }
0x52: {  	_ =	shalt  }
0x53: {  	_ =	shalt  }
0x54: {  	_ =	shalt  }
0x55: {  	_ =	shalt  }
0x56: {  	_ =	shalt  }
0x57: {  	_ =	shalt  }
0x58: {  	_ =	shalt  }
0x59: {  	_ =	shalt  }
0x5a: {  	_ =	shalt  }
0x5b: {  	_ =	shalt  }
0x5c: {  	_ =	shalt  }
0x5d: {  	_ =	shalt  }
0x5e: {  	_ =	shalt  }
0x5f: {  	_ =	shalt  }
0x60: {  	_ =	shalt  }
0x61: {  	_ =	shalt  }
0x62: {  	_ =	shalt  }
0x63: {  	_ =	shalt  }
0x64: {  	_ =	shalt  }
0x65: {  	_ =	shalt  }
0x66: {  	_ =	shalt  }
0x67: {  	_ =	shalt  }
0x68: {  	_ =	shalt  }
0x69: {  	_ =	shalt  }
0x6a: {  	_ =	shalt  }
0x6b: {  	_ =	shalt  }
0x6c: {  	_ =	shalt  }
0x6d: {  	_ =	shalt  }
0x6e: {  	_ =	shalt  }
0x6f: {  	_ =	shalt  }
0x70: {  	_ =	shalt  }
0x71: {  	_ =	shalt  }
0x72: {  	_ =	shalt  }
0x73: {  	_ =	shalt  }
0x74: {  	_ =	shalt  }
0x75: {  	_ =	shalt  }
0x76: {  	_ =	shalt  }
0x77: {  	_ =	shalt  }
0x78: {  	_ =	shalt  }
0x79: {  	_ =	shalt  }
0x7a: {  	_ =	shalt  }
0x7b: {  	_ =	shalt  }
0x7c: {  	_ =	shalt  }
0x7d: {  	_ =	shalt  }
0x7e: {  	_ =	shalt  }
0x7f: {  	_ =	shalt  }
0x80: {  	_ =	shalt  }
0x81: {  	_ =	shalt  }
0x82: {  	_ =	shalt  }
0x83: {  	_ =	shalt  }
0x84: {  	_ =	shalt  }
0x85: {  	_ =	shalt  }
0x86: {  	_ =	shalt  }
0x87: {  	_ =	shalt  }
.Lfunc_end0:
.L_simem_size_0:
called_computation_lowered:
.L_overlay_start_0:
0x88: {  	s2 =	sld [smem:$0x3FD9]  }
0x89: {  	s3 =	sld [smem:$0x3FFE];
	_ =	sdelay $0x1  }
0x8a: {  	s1 =	srdreg.scid  }
0x8b: {  	s0 =	sand.u32 $0x1, s1  }
0x8c: {  	s16 =	sshll.u32 s0, $0xA;
	s2 =	sadd.s32 s3, s2  }
0x8d: {  	s2 =	sadd.s32 s2, s16  }
0x8e: {  	[smem:$0x3FB7] =	sst s2  }
0x8f: {  	_ = 	snop  }
0x90: {  	(tm) =	ssettm $0x1  }
0x91: {  	s17 =	sld [smem:$0x3FFB];
	_ =	sdelay $0x3  }
0x92: {  	_ =	strace s17  }
0x93: {  	s2 =	sld [smem:$0x3FFC];
	_ =	sdelay $0x3  }
0x94: {  	_ =	strace s2  }
0x95: {  	s2 =	sld [smem:$0x3FFD];
	_ =	sdelay $0x3  }
0x96: {  	_ =	strace s2  }
0x97: {  	_ =	strace $0x8FFFFFFF  }
0x98: {  	s18 =	sld [smem:$0x3FDB];
	_ =	sdelay $0x1  }
0x99: {  	s19 =	simm.s32 $_scs_section_size  }
0x9a: {  	s4 =	simm.s32 $_size__tile_overlayer_lowered;
	s5 =	simm.s32 $_tile_overlayer_lowered  }
0x9b: {  	s22 =	simm.s32 $0x1BFF;
	s21 =	sshll.u32 s5, $0x1;
	s2 =	sadd.s32 s19, s18  }
0x9c: {  	s6 =	simm.s32 $0x0;
	s20 =	sshll.u32 s4, $0x1;
	s4 =	sadd.s32 s21, s2  }
0x9d: {  	[timem:s6], [sflag:s22] =	dma.local [hbm:s4], s20  }
0x9e: {  	_ =	swait.ge [sflag:s22], s20  }
0x9f: {  	s3 =	ssub.s32 $0x0, s20;
	[sflag:s22] =	ssyncset.done $0x0  }
0xa0: {  	[sflag:s22] =	ssyncadd.s32 s3;
	_ =	sdelay $0x1  }
0xa1: {  	s23 =	simm.s32 $0x1B8B  }
0xa2: {  	_ =	swait.ge [sflag:s23], $0x1  }
0xa3: {  	[sflag:s23] =	ssyncset.done $0x0  }
0xa4: {  	s25 =	simm.s32 $0x1B8E;
	s24 =	sld [smem:$0x3FFE];
	[sflag:s23] =	ssyncadd.s32 $0xFFFFFFFF  }
0xa5: {  	s26 =	simm.s32 $execute0_lowered;
	[smem:$0x3FD2] =	sst s25  }
0xa6: {  	s4 =	sshll.u32 s26, $0x1;
	_ =	strace $0x80000046;
	[dreg:$0x1] =	wrdreg $0xFFFFFFFF  }
0xa7: {  	s28 =	simm.s32 $_size_execute0_lowered;
	s2 =	sadd.s32 s2, s4;
	[dreg:$0x0] =	wrdreg $0x0  }
0xa8: {  	s4 =	sshll.u32 s28, $0x1;
	[dreg:$0x2] =	wrdreg s2  }
0xa9: {  	[dreg:$0x3] =	wrdreg s4  }
0xaa: {  	[dreg:$0x4] =	wrdreg $0xC0  }
0xab: {  	_ =	task [dreg:s6], $0x5FFFF  }
0xac: {  	[dreg:$0x1] =	wrdreg $0xFFFFFFFF  }
0xad: {  	[dreg:$0x0] =	wrdreg $0x60  }
0xae: {  	[dreg:$0x2] =	wrdreg s24  }
0xaf: {  	[dreg:$0x3] =	wrdreg $0x2B000  }
0xb0: {  	[dreg:$0x4] =	wrdreg $0x9  }
0xb1: {  	_ =	task.clear_ibuf [dreg:s6], $0x5FFFF;
	_ =	strace $0x90000046  }
0xb2: {  	s29 =	simm.s32 $0x9;
	_ =	strace $0x80000048  }
0xb3: {  	_ =	swait.ge [sflag:s29], $0x1  }
0xb4: {  	[sflag:s29] =	ssyncadd.s32 $0xFFFFFFFF  }
0xb5: {  	_ =	strace $0x90000048  }
0xb6: {  	_ =	sfence  }
0xb7: {  	s30 =	sld [smem:$0x0];
	_ =	sdelay $0x2  }
0xb8: {  	s31 =	sshll.u32 s1, $0xD;
	s1 =	sshrl.u32 s1, $0x2  }
0xb9: {  	s3 =	sand.u32 $0x4000, s31;
	s1 =	sadd.s32 s1, s30  }
0xba: {  	s0 =	sor.u32 s3, s0;
	s1 =	sshll.u32 s1, $0x11  }
0xbb: {  	s0 =	sor.u32 s1, s0  }
0xbc: {  	s0 =	sadd.s32 $0x8F2B, s0  }
0xbd: {  	[sflag:s0] =	ssyncadd.remote.s32 $0x1  }
0xbe: {  	_ =	sfence.sel $0xFFFF  }
0xbf: {  	[dreg:$0x0] =	wrdreg $0xFFFFFFFF;
	(pc) =	sbr.abs _section_cstart, $3  }
0xc0: {  	[dreg:$0x1] =	wrdreg $0xFFFFFFFF  }
0xc1: {  	_ =	task.clear_ibuf [dreg:s6], $0x2FFFF;
	_ =	strace $0x9FFFFFFF  }
0xc2: {  	(tm) =	ssettm $0x7FFFFFFF  }
0xc3: {  	_ =	shalt  }
tec
execute0_lowered:
.L_overlay_start_1:
0x0: {  	(tag) =	ssettag $0x1  }
0x1: {  	s4 =	rddreg [dreg:$0x0]  }
0x2: {  	s2 =	rddreg [dreg:$0x1];
	s3 =	srdreg.scid  }
0x3: {  	s1 =	stileid.u32;
	s0 =	rddreg [dreg:$0x2];
	s10 =	simm.s32 $0x80  }
0x4: {  	s11 =	simm.s32 $0x2800;
	s14 =	simm.s32 $0x0;
	s5 =	sand.u32 $0x1, s3  }
0x5: {  	s6 =	smul.u32 $0x280, s1;
	s3 =	simm.s32 $0x0;
	s7 =	sshll.u32 s1, $0x1  }
0x6: {  	s12 =	sshll.u32 s1, $0x6;
	s8 =	smul.u32 $0x2800, s5;
	[smem:$0x7FF] =	sst s3  }
0x7: {  	s7 =	sor.u32 s5, s7;
	s5 =	ssub.s32 $0x2, s5;
	s12 =	sor.u32 $0x1C01, s12  }
0x8: {  	s7 =	smul.u32 $0x500, s7;
	s9 =	sshrl.u32 s5, $0x1;
	s8 =	sadd.s32 s6, s8  }
0x9: {  	_ =	strace $0x80000047;
	s9 =	ssub.s32 s5, s9;
	s8 =	sshrl.u32 s8, $0x3  }
0xa: {  	s7 =	sadd.s32 s7, s4;
	s8 =	sadd.s32 s8, s4;
	s4 =	sadd.s32 s6, s2  }
0xb: {  	s5 =	sadd.s32 $0x3400, s7;
	s7 =	smax.u32 s9, $0x1;
	s9 =	simm.s32 $0x1  }
0xc: {  	v0 =	vimm.f32 $1.000000000e+00;
	v1 =	vimm.f32 $0.0e+00;
	s6 =	sadd.s32 $0xD400, s8;
	s8 =	simm.s32 $0x2880;
	s13 =	sshrl.u32 s4, $0x3  }
.LBB2_1:
0xd: {  	[tilespmem:$0x2800] =	vst v0  }
0xe: {  	[tilespmem:$0x2810] =	vst v0  }
0xf: {  	[tilespmem:$0x2820] =	vst v0  }
0x10: {  	[tilespmem:$0x2830] =	vst v0  }
0x11: {  	[tilespmem:$0x2840] =	vst v0  }
0x12: {  	[tilespmem:$0x2850] =	vst v0  }
0x13: {  	[tilespmem:$0x2860] =	vst v0  }
0x14: {  	[tilespmem:$0x2870] =	vst v0  }
0x15: {  	[tilespmem:$0x2880] =	vst v1  }
0x16: {  	[tilespmem:$0x2890] =	vst v1  }
0x17: {  	[tilespmem:$0x28A0] =	vst v1  }
0x18: {  	[tilespmem:$0x28B0] =	vst v1  }
0x19: {  	[tilespmem:$0x28C0] =	vst v1  }
0x1a: {  	[tilespmem:$0x28D0] =	vst v1  }
0x1b: {  	[tilespmem:$0x28E0] =	vst v1  }
0x1c: {  	[tilespmem:$0x28F0] =	vst v1  }
0x1d: {  	[tilespmem:$0x2900] =	vst v1  }
0x1e: {  	[tilespmem:$0x2910] =	vst v1  }
0x1f: {  	[tilespmem:$0x2920] =	vst v1  }
0x20: {  	[tilespmem:$0x2930] =	vst v1  }
0x21: {  	[tilespmem:$0x2940] =	vst v1  }
0x22: {  	[tilespmem:$0x2950] =	vst v1  }
0x23: {  	[tilespmem:$0x2960] =	vst v1  }
0x24: {  	[tilespmem:$0x2970] =	vst v1  }
0x25: {  	[tilespmem:$0x2980] =	vst v1  }
0x26: {  	[tilespmem:$0x2990] =	vst v1  }
0x27: {  	[tilespmem:$0x29A0] =	vst v1  }
0x28: {  	[tilespmem:$0x29B0] =	vst v1  }
0x29: {  	[tilespmem:$0x29C0] =	vst v1  }
0x2a: {  	[tilespmem:$0x29D0] =	vst v1  }
0x2b: {  	[tilespmem:$0x29E0] =	vst v1  }
0x2c: {  	[tilespmem:$0x29F0] =	vst v1  }
0x2d: {  	[tilespmem:$0x2A00] =	vst v1  }
0x2e: {  	[tilespmem:$0x2A10] =	vst v1  }
0x2f: {  	[tilespmem:$0x2A20] =	vst v1  }
0x30: {  	[tilespmem:$0x2A30] =	vst v1  }
0x31: {  	[tilespmem:$0x2A40] =	vst v1  }
0x32: {  	[tilespmem:$0x2A50] =	vst v1  }
0x33: {  	[tilespmem:$0x2A60] =	vst v1  }
0x34: {  	[tilespmem:$0x2A70] =	vst v1  }
0x35: {  	[tilespmem:$0x2A80] =	vst v1  }
0x36: {  	[tilespmem:$0x2A90] =	vst v1  }
0x37: {  	[tilespmem:$0x2AA0] =	vst v1  }
0x38: {  	[tilespmem:$0x2AB0] =	vst v1  }
0x39: {  	[tilespmem:$0x2AC0] =	vst v1  }
0x3a: {  	[tilespmem:$0x2AD0] =	vst v1  }
0x3b: {  	[tilespmem:$0x2AE0] =	vst v1  }
0x3c: {  	[tilespmem:$0x2AF0] =	vst v1  }
0x3d: {  	[spmem:s4] =	stream.linear.scatter [tilespmem:s8], [sflag:$0x1], $0x280, $0x38;
	[tilespmem:$0x2D80] =	vst v63  }
0x3e: {  	_ =	swait.ge [sflag:s9], $0x280  }
0x3f: {  	[sflag:s9] =	ssyncset.done $0x0  }
0x40: {  	[sflag:s9] =	ssyncadd.s32 $0xFFFFFD80  }
0x41: {  	[tilespmem:s3], [sflag:$0x1] =	stream.linear.gather [hbm4b:s5+s3], $0x2780, $0x38;
	[tilespmem:$0x2D80] =	vst v63  }
0x42: {  	_ =	swait.ge [sflag:s9], $0x2780  }
0x43: {  	[sflag:s9] =	ssyncset.done $0x0  }
0x44: {  	[sflag:s9] =	ssyncadd.s32 $0xFFFFD880  }
0x45: {  	s15 =	simm.s32 $0x0;
	[bflag:$0x0] =	sbarrier.arrive $0xFFFF  }
0x46: {  	[spmem:s2] =	stream.indirect.scatter.add.f32 [tilespmem:s11], [sflag:$0x1], $0x1, s15, s10, $0xb8;
	[tilespmem:$0x2D80] =	vst v63  }
0x47: {  	_ =	swait.ge [sflag:s9], $0x80  }
0x48: {  	s15 =	simm.s32 $0x200;
	[sflag:s9] =	ssyncset.done $0x0  }
.LBB2_2:
0x49: {  	s16 =	sshra.s32 s15, $0x2;
	[sflag:s9] =	ssyncadd.s32 $0xFFFFFF80;
	p0 =	sne.s32 s15, $0x9C00  }
0x4a: {  	[spmem:s2] =	stream.indirect.scatter.add.f32 [tilespmem:s11], [sflag:$0x1], $0x1, s16, s10, $0xb8;
	[tilespmem:$0x2D80] =	vst v63  }
.Ltmp0:
0x4b: {  	_ = 	snop;
	(pc) =	sbr.rel @p0 .LBB2_2-.Ltmp0, $4  }
0x4c: {  	_ = 	snop  }
0x4d: {  	s15 =	sadd.s32 $0x200, s15  }
0x4e: {  	_ =	swait.ge [sflag:s9], $0x80  }
0x4f: {  	[sflag:s9] =	ssyncset.done $0x0  }
0x50: {  	s14 =	sadd.s32 $0x1, s14  }
0x51: {  	[sflag:s9] =	ssyncadd.s32 $0xFFFFFF80;
	p0 =	sne.s32 s14, s7  }
.Ltmp1:
0x52: {  	[bflag:$0x0] =	sbarrier.arrive $0xFFFF;
	(pc) =	sbr.rel @p0 .LBB2_1-.Ltmp1, $4  }
0x53: {  	[hbm:s6], [sflag:s12] =	dma.local [spmem:s13], $0x50  }
0x54: {  	_ =	swait.ge [sflag:s9], $0x50  }
0x55: {  	[sflag:s9] =	ssyncset.done $0x0  }
0x56: {  	[sflag:s9] =	ssyncadd.s32 $0xFFFFFFB0  }
0x57: {  	_ =	sfence.sel $0x180000  }
0x58: {  	[bflag:$0x0] =	sbarrier.arrive $0xFFFF  }
0x59: {  	p0 =	sne.s32 s1, $0x0;
	_ =	strace $0x90000047  }
0x5a: {  	s0 =	sadd.s32 @!p0 $0x100000, s0;
	[bflag:$0x2] =	sbarrier.arrive $0xFFFF  }
0x5b: {  	[sflag:s0] =	ssyncadd.tile.s32 @!p0 $0x1;
	_ =	shalt  }
.Lfunc_end2:
_tile_overlayer_lowered:
.L_overlay_start_2:
0x5c: {  	(tag) =	ssettag $0x2  }
0x5d: {  	s0 =	rddreg [dreg:$0x0];
	s2 =	stileid.u32  }
0x5e: {  	s1 =	rddreg [dreg:$0x1];
	p0 =	sne.s32 s2, $0x0  }
0x5f: {  	s3 =	rddreg [dreg:$0x2];
	[bflag:$0x3] =	sbarrier.arrive $0xFFFF;
	s2 =	simm.s32 @!p0 $0x1C01  }
0x60: {  	[timem:s3], [sflag:s2] =	dma.local @!p0 [hbm:s0], s1  }
0x61: {  	s0 =	simm.s32 @!p0 $0x1  }
0x62: {  	_ =	swait.ge @!p0 [sflag:s0], s1  }
0x63: {  	s1 =	ssub.s32 @!p0 $0x0, s1;
	[sflag:s0] =	ssyncset.done @!p0 $0x0  }
0x64: {  	[sflag:s0] =	ssyncadd.s32 @!p0 s1  }
0x65: {  	[bflag:$0x3] =	sbarrier.arrive $0xFFFF  }
0x66: {  	_ =	shalt  }

</sc_bundles>
